<compile_context>
chip_gen: v7x
topology: tpu7x:2x2x1
jax: 0.10.2.dev20260603
libtpu: 0.0.44.dev20260713+nightly
codegen_flags: <defaults>
</compile_context>

<pallas_src>
import jax
import jax.numpy as jnp
from jax import lax
from jax.experimental import pallas as pl
from jax.experimental.pallas import tpu as pltpu
from jax.experimental.pallas import tpu_sc as plsc

N = 128
V = 10000
E = 320000
LANES = 16
ROWS_PER_TILE = 4
CHUNK = 16000
NCHUNKS = E // CHUNK
CHUNKW = CHUNK // 2


def _sc_body(flat_hbm, cp_hbm, rp_hbm, wp_hbm, out_hbm,
             acc_v, xp_v, cp_b0, rp_b0, wp_b0, cp_b1, rp_b1, wp_b1,
             sem0, sem1, xsem):
    nc = plsc.get_sparse_core_info().num_cores
    wid = lax.axis_index("s") * nc + lax.axis_index("c")
    base = wid * ROWS_PER_TILE * V

    bufs = ((cp_b0, rp_b0, wp_b0, sem0), (cp_b1, rp_b1, wp_b1, sem1))

    def start(slot, w0):
        cp_v, rp_v, wp_v, sem = bufs[slot]
        pltpu.async_copy(cp_hbm.at[pl.ds(w0, CHUNKW)], cp_v, sem)
        pltpu.async_copy(rp_hbm.at[pl.ds(w0, CHUNKW)], rp_v, sem)
        pltpu.async_copy(wp_hbm.at[pl.ds(w0, CHUNKW)], wp_v, sem)

    def wait(slot):
        cp_v, rp_v, wp_v, sem = bufs[slot]
        pltpu.make_async_copy(cp_hbm.at[pl.ds(0, CHUNKW)], cp_v, sem).wait()
        pltpu.make_async_copy(rp_hbm.at[pl.ds(0, CHUNKW)], rp_v, sem).wait()
        pltpu.make_async_copy(wp_hbm.at[pl.ds(0, CHUNKW)], wp_v, sem).wait()

    start(0, 0)
    start(1, CHUNKW)
    pltpu.async_copy(flat_hbm.at[pl.ds(base, ROWS_PER_TILE * V)], acc_v, xsem)
    pltpu.make_async_copy(flat_hbm.at[pl.ds(0, ROWS_PER_TILE * V)], acc_v, xsem).wait()

    @plsc.parallel_loop(0, V, LANES, unroll=8)
    def _pk(i):
        for j2 in range(ROWS_PER_TILE // 2):
            a = acc_v[pl.ds(2 * j2 * V + i, LANES)]
            b = acc_v[pl.ds((2 * j2 + 1) * V + i, LANES)]
            ab = plsc.pack(a, b, format=plsc.PackFormat.INTERLEAVED)
            xp_v[pl.ds(j2 * V + i, LANES)] = plsc.bitcast(ab, jnp.int32)

    xp_rows = [xp_v.at[pl.ds(j2 * V, V)] for j2 in range(ROWS_PER_TILE // 2)]
    acc_rows = [acc_v.at[pl.ds(j * V, V)] for j in range(ROWS_PER_TILE)]

    def process(slot):
        cp_v, rp_v, wp_v, _ = bufs[slot]

        @plsc.parallel_loop(0, CHUNKW, LANES, unroll=4)
        def _grp(i):
            cp = cp_v[pl.ds(i, LANES)]
            rp = rp_v[pl.ds(i, LANES)]
            wp = wp_v[pl.ds(i, LANES)]
            cc = plsc.unpack(plsc.bitcast(cp, jnp.int16),
                             format=plsc.PackFormat.INTERLEAVED,
                             preferred_element_type=jnp.int32)
            rr = plsc.unpack(plsc.bitcast(rp, jnp.int16),
                             format=plsc.PackFormat.INTERLEAVED,
                             preferred_element_type=jnp.int32)
            ww = plsc.unpack(plsc.bitcast(wp, jnp.bfloat16),
                             format=plsc.PackFormat.INTERLEAVED)
            for h in range(2):
                c, r, w = cc[h], rr[h], ww[h]
                for j2 in range(ROWS_PER_TILE // 2):
                    gw = plsc.load_gather(xp_rows[j2], [c])
                    a, b = plsc.unpack(plsc.bitcast(gw, jnp.bfloat16),
                                       format=plsc.PackFormat.INTERLEAVED)
                    plsc.addupdate_scatter(acc_rows[2 * j2], [r], a * w)
                    plsc.addupdate_scatter(acc_rows[2 * j2 + 1], [r], b * w)

    @pl.loop(0, NCHUNKS, step=2)
    def _pair(g):
        wait(0)
        process(0)

        @pl.when(g + 2 < NCHUNKS)
        def _():
            start(0, (g + 2) * CHUNKW)

        wait(1)
        process(1)

        @pl.when(g + 3 < NCHUNKS)
        def _():
            start(1, (g + 3) * CHUNKW)

    pltpu.sync_copy(acc_v, out_hbm.at[pl.ds(base, ROWS_PER_TILE * V)])


@jax.jit
def _structured_logits_sc(flat, cpair, rpair, wpair):
    flat = flat.reshape(-1)
    mesh = plsc.VectorSubcoreMesh(core_axis_name="c", subcore_axis_name="s")
    return pl.kernel(
        _sc_body,
        out_type=jax.ShapeDtypeStruct((N * V,), jnp.float32),
        mesh=mesh,
        compiler_params=pltpu.CompilerParams(needs_layout_passes=False),
        scratch_types=[
            pltpu.VMEM((ROWS_PER_TILE * V,), jnp.float32),
            pltpu.VMEM((ROWS_PER_TILE // 2 * V,), jnp.int32),
            pltpu.VMEM((CHUNKW,), jnp.int32),
            pltpu.VMEM((CHUNKW,), jnp.int32),
            pltpu.VMEM((CHUNKW,), jnp.int32),
            pltpu.VMEM((CHUNKW,), jnp.int32),
            pltpu.VMEM((CHUNKW,), jnp.int32),
            pltpu.VMEM((CHUNKW,), jnp.int32),
            pltpu.SemaphoreType.DMA,
            pltpu.SemaphoreType.DMA,
            pltpu.SemaphoreType.DMA,
        ],
    )(flat, cpair, rpair, wpair)


def kernel(logits, edge_index, edge_values):
    old_shape = logits.shape
    flat = logits.reshape(-1, old_shape[-1])
    col2 = edge_index[1].astype(jnp.int16).reshape(-1, 2)
    row2 = edge_index[0].astype(jnp.int16).reshape(-1, 2)
    vv2 = edge_values.astype(jnp.bfloat16).reshape(-1, 2)
    cpair = lax.bitcast_convert_type(col2, jnp.int32)
    rpair = lax.bitcast_convert_type(row2, jnp.int32)
    wpair = lax.bitcast_convert_type(vv2, jnp.int32)
    out = _structured_logits_sc(flat, cpair, rpair, wpair)
    return out.reshape(old_shape)

# --- scband reference (transcript-rebuilt; emitter-appended) ---
"""Pipeline reference for scband-structured-logits-28802050687522 (READ-ONLY COPY).

The authoritative reference and input builder live on the scoring server;
editing this copy changes nothing except your own understanding.
"""

import jax, jax.numpy as jnp
import numpy as np

V = 10000
E = 320000
B, T = 4, 32

def setup_inputs(seed: int = 0) -> dict:
    key = jax.random.key(seed)
    k1, k2, k3 = jax.random.split(key, 3)
    logits = jax.random.normal(k1, (B, T, V), dtype=jnp.float32)
    # adjacency buffers normally stored as Parameters inside the module
    edge_index = jax.random.randint(k2, (2, E), 0, V, dtype=jnp.int32)  # [2, E] (row=dst, col=src)
    edge_values = jax.random.uniform(k3, (E,), dtype=jnp.float32)       # vv, trainable if adjacency_trainable
    return {"logits": logits, "edge_index": edge_index, "edge_values": edge_values}

def reference(logits, edge_index, edge_values):
    # StructuredLogits.forward with DEHARDCODE_ALPHA=1.0, renormalize=False
    # neighbors = spmm(A, logits^T)^T ; out = neighbors + logits
    old_shape = logits.shape
    Vdim = old_shape[-1]
    flat = logits.reshape(-1, Vdim)                    # [N, V]  (N = B*T)
    row = edge_index[0]
    col = edge_index[1]
    # torch_sparse.spmm: out_flat_T[row] += vv_e * flat_T[col]
    gathered = flat[:, col] * edge_values[None, :]     # [N, E] gather along V (src cols)
    neighbors = jax.ops.segment_sum(gathered.T, row, num_segments=Vdim).T  # [N, V] scatter-add to dst rows
    out = neighbors.reshape(old_shape) + logits        # residual add (logits_old)
    return out

if __name__ == "__main__":
    import jax
    _d = setup_inputs()
    print(jax.jit(kernel)(*tuple(_d.values())))

</pallas_src>

<mosaic_0001>
#map = affine_map<(d0, d1) -> (0)>
module attributes {stable_mosaic.version = 14 : i64} {
  func.func @_sc_body(%arg0: i32, %arg1: i32, %arg2: memref<1280000xf32, #tpu.memory_space<hbm>>, %arg3: memref<160000xi32, #tpu.memory_space<hbm>>, %arg4: memref<160000xi32, #tpu.memory_space<hbm>>, %arg5: memref<160000xi32, #tpu.memory_space<hbm>>, %arg6: memref<1280000xf32, #tpu.memory_space<hbm>>, %arg7: memref<40000xf32, #tpu.memory_space<vmem>>, %arg8: memref<20000xi32, #tpu.memory_space<vmem>>, %arg9: memref<8000xi32, #tpu.memory_space<vmem>>, %arg10: memref<8000xi32, #tpu.memory_space<vmem>>, %arg11: memref<8000xi32, #tpu.memory_space<vmem>>, %arg12: memref<8000xi32, #tpu.memory_space<vmem>>, %arg13: memref<8000xi32, #tpu.memory_space<vmem>>, %arg14: memref<8000xi32, #tpu.memory_space<vmem>>, %arg15: memref<!tpu.dma_semaphore, #tpu.memory_space<semaphore_mem>>, %arg16: memref<!tpu.dma_semaphore, #tpu.memory_space<semaphore_mem>>, %arg17: memref<!tpu.dma_semaphore, #tpu.memory_space<semaphore_mem>>) attributes {dimension_semantics = [#tpu.dimension_semantics<core_parallel>, #tpu.dimension_semantics<subcore_parallel>], iteration_bounds = array<i64: 2, 16>, scalar_prefetch = 0 : i64, scratch_operands = 11 : i64, tpu.core_type = #tpu.core_type<sc_vector_subcore>, window_params = [{transform_indices = #map}, {transform_indices = #map}, {transform_indices = #map}, {transform_indices = #map}, {transform_indices = #map}]} {
    %mul3A = arith.constant 2 : i32
    %mul3A_0 = arith.muli %arg1, %mul3A : i32
    %add3A = arith.addi %mul3A_0, %arg0 : i32
    %mul3A_1 = arith.constant 4 : i32
    %mul3A_2 = arith.muli %add3A, %mul3A_1 : i32
    %mul3A_3 = arith.constant 10000 : i32
    %mul3A_4 = arith.muli %mul3A_2, %mul3A_3 : i32
    %dma_start3A = arith.constant 0 : i32
    %dma_start3A_5 = tpu.memref_slice %arg3[%dma_start3A] : memref<160000xi32, #tpu.memory_space<hbm>> -> memref<8000xi32, #tpu.memory_space<hbm>>
    %dma_start3A_6 = arith.constant 0 : i32
    %dma_start3A_7 = tpu.memref_slice %arg3[%dma_start3A_6] : memref<160000xi32, #tpu.memory_space<hbm>> -> memref<8000xi32, #tpu.memory_space<hbm>>
    tpu.enqueue_dma source(%dma_start3A_7 : memref<8000xi32, #tpu.memory_space<hbm>>) target(%arg9 : memref<8000xi32, #tpu.memory_space<vmem>>) target_semaphore(%arg15 : memref<!tpu.dma_semaphore, #tpu.memory_space<semaphore_mem>>)
    %dma_start3A_8 = arith.constant 0 : i32
    %dma_start3A_9 = tpu.memref_slice %arg4[%dma_start3A_8] : memref<160000xi32, #tpu.memory_space<hbm>> -> memref<8000xi32, #tpu.memory_space<hbm>>
    %dma_start3A_10 = arith.constant 0 : i32
    %dma_start3A_11 = tpu.memref_slice %arg4[%dma_start3A_10] : memref<160000xi32, #tpu.memory_space<hbm>> -> memref<8000xi32, #tpu.memory_space<hbm>>
    tpu.enqueue_dma source(%dma_start3A_11 : memref<8000xi32, #tpu.memory_space<hbm>>) target(%arg10 : memref<8000xi32, #tpu.memory_space<vmem>>) target_semaphore(%arg15 : memref<!tpu.dma_semaphore, #tpu.memory_space<semaphore_mem>>)
    %dma_start3A_12 = arith.constant 0 : i32
    %dma_start3A_13 = tpu.memref_slice %arg5[%dma_start3A_12] : memref<160000xi32, #tpu.memory_space<hbm>> -> memref<8000xi32, #tpu.memory_space<hbm>>
    %dma_start3A_14 = arith.constant 0 : i32
    %dma_start3A_15 = tpu.memref_slice %arg5[%dma_start3A_14] : memref<160000xi32, #tpu.memory_space<hbm>> -> memref<8000xi32, #tpu.memory_space<hbm>>
    tpu.enqueue_dma source(%dma_start3A_15 : memref<8000xi32, #tpu.memory_space<hbm>>) target(%arg11 : memref<8000xi32, #tpu.memory_space<vmem>>) target_semaphore(%arg15 : memref<!tpu.dma_semaphore, #tpu.memory_space<semaphore_mem>>)
    %dma_start3A_16 = arith.constant 8000 : i32
    %dma_start3A_17 = tpu.memref_slice %arg3[%dma_start3A_16] : memref<160000xi32, #tpu.memory_space<hbm>> -> memref<8000xi32, #tpu.memory_space<hbm>>
    %dma_start3A_18 = arith.constant 8000 : i32
    %dma_start3A_19 = tpu.memref_slice %arg3[%dma_start3A_18] : memref<160000xi32, #tpu.memory_space<hbm>> -> memref<8000xi32, #tpu.memory_space<hbm>>
    tpu.enqueue_dma source(%dma_start3A_19 : memref<8000xi32, #tpu.memory_space<hbm>>) target(%arg12 : memref<8000xi32, #tpu.memory_space<vmem>>) target_semaphore(%arg16 : memref<!tpu.dma_semaphore, #tpu.memory_space<semaphore_mem>>)
    %dma_start3A_20 = arith.constant 8000 : i32
    %dma_start3A_21 = tpu.memref_slice %arg4[%dma_start3A_20] : memref<160000xi32, #tpu.memory_space<hbm>> -> memref<8000xi32, #tpu.memory_space<hbm>>
    %dma_start3A_22 = arith.constant 8000 : i32
    %dma_start3A_23 = tpu.memref_slice %arg4[%dma_start3A_22] : memref<160000xi32, #tpu.memory_space<hbm>> -> memref<8000xi32, #tpu.memory_space<hbm>>
    tpu.enqueue_dma source(%dma_start3A_23 : memref<8000xi32, #tpu.memory_space<hbm>>) target(%arg13 : memref<8000xi32, #tpu.memory_space<vmem>>) target_semaphore(%arg16 : memref<!tpu.dma_semaphore, #tpu.memory_space<semaphore_mem>>)
    %dma_start3A_24 = arith.constant 8000 : i32
    %dma_start3A_25 = tpu.memref_slice %arg5[%dma_start3A_24] : memref<160000xi32, #tpu.memory_space<hbm>> -> memref<8000xi32, #tpu.memory_space<hbm>>
    %dma_start3A_26 = arith.constant 8000 : i32
    %dma_start3A_27 = tpu.memref_slice %arg5[%dma_start3A_26] : memref<160000xi32, #tpu.memory_space<hbm>> -> memref<8000xi32, #tpu.memory_space<hbm>>
    tpu.enqueue_dma source(%dma_start3A_27 : memref<8000xi32, #tpu.memory_space<hbm>>) target(%arg14 : memref<8000xi32, #tpu.memory_space<vmem>>) target_semaphore(%arg16 : memref<!tpu.dma_semaphore, #tpu.memory_space<semaphore_mem>>)
    %dma_start3A_28 = tpu.memref_slice %arg2[%mul3A_4] : memref<1280000xf32, #tpu.memory_space<hbm>> -> memref<40000xf32, #tpu.memory_space<hbm>>
    %dma_start3A_29 = tpu.memref_slice %arg2[%mul3A_4] : memref<1280000xf32, #tpu.memory_space<hbm>> -> memref<40000xf32, #tpu.memory_space<hbm>>
    tpu.enqueue_dma source(%dma_start3A_29 : memref<40000xf32, #tpu.memory_space<hbm>>) target(%arg7 : memref<40000xf32, #tpu.memory_space<vmem>>) target_semaphore(%arg17 : memref<!tpu.dma_semaphore, #tpu.memory_space<semaphore_mem>>)
    %dma_wait3A = arith.constant 0 : i32
    %dma_wait3A_30 = tpu.memref_slice %arg2[%dma_wait3A] : memref<1280000xf32, #tpu.memory_space<hbm>> -> memref<40000xf32, #tpu.memory_space<hbm>>
    %dma_wait3A_31 = arith.constant 0 : i32
    %dma_wait3A_32 = tpu.memref_slice %arg2[%dma_wait3A_31] : memref<1280000xf32, #tpu.memory_space<hbm>> -> memref<40000xf32, #tpu.memory_space<hbm>>
    tpu.wait_dma2 semaphore(%arg17 : memref<!tpu.dma_semaphore, #tpu.memory_space<semaphore_mem>>) src(%dma_wait3A_32 : memref<40000xf32, #tpu.memory_space<hbm>>) dst(%arg7 : memref<40000xf32, #tpu.memory_space<vmem>>)
    %parallel_loop3A = arith.constant 0 : i32
    %parallel_loop3A_33 = arith.constant 10000 : i32
    %parallel_loop3A_34 = arith.constant 16 : i32
    scf.for %parallel_loop3A_39 = %parallel_loop3A to %parallel_loop3A_33 step %parallel_loop3A_34  : i32 {
      %parallel_loop3A_40 = arith.constant 0 : i32
      %parallel_loop3A_41 = arith.addi %parallel_loop3A_40, %parallel_loop3A_39 : i32
      %parallel_loop3A_42 = arith.index_cast %parallel_loop3A_41 : i32 to index
      %parallel_loop3A_43 = tpu.vector_load %arg7[%parallel_loop3A_42] {strides = array<i32>} : memref<40000xf32, #tpu.memory_space<vmem>>, vector<16xf32>,
      %parallel_loop3A_44 = arith.constant 10000 : i32
      %parallel_loop3A_45 = arith.addi %parallel_loop3A_44, %parallel_loop3A_39 : i32
      %parallel_loop3A_46 = arith.index_cast %parallel_loop3A_45 : i32 to index
      %parallel_loop3A_47 = tpu.vector_load %arg7[%parallel_loop3A_46] {strides = array<i32>} : memref<40000xf32, #tpu.memory_space<vmem>>, vector<16xf32>,
      %parallel_loop3A_48 = tpu.pack_subelements %parallel_loop3A_43, %parallel_loop3A_47 {pack_format = #tpu.pack_format<interleaved>, positions = array<i32: 0, 1>} : vector<16xf32>, vector<16xf32> -> vector<32xbf16>
      %parallel_loop3A_49 = vector.bitcast %parallel_loop3A_48 : vector<32xbf16> to vector<16xi32>
      %parallel_loop3A_50 = arith.constant 0 : i32
      %parallel_loop3A_51 = arith.addi %parallel_loop3A_50, %parallel_loop3A_39 : i32
      %parallel_loop3A_52 = arith.index_cast %parallel_loop3A_51 : i32 to index
      %parallel_loop3A_53 = tpu.vector_load %arg8[%parallel_loop3A_52] {strides = array<i32>} : memref<20000xi32, #tpu.memory_space<vmem>>, vector<16xi32>,
      tpu.vector_store %arg8[%parallel_loop3A_52], %parallel_loop3A_49 {strides = array<i32>} : memref<20000xi32, #tpu.memory_space<vmem>>, vector<16xi32>,
      %parallel_loop3A_54 = arith.constant 20000 : i32
      %parallel_loop3A_55 = arith.addi %parallel_loop3A_54, %parallel_loop3A_39 : i32
      %parallel_loop3A_56 = arith.index_cast %parallel_loop3A_55 : i32 to index
      %parallel_loop3A_57 = tpu.vector_load %arg7[%parallel_loop3A_56] {strides = array<i32>} : memref<40000xf32, #tpu.memory_space<vmem>>, vector<16xf32>,
      %parallel_loop3A_58 = arith.constant 30000 : i32
      %parallel_loop3A_59 = arith.addi %parallel_loop3A_58, %parallel_loop3A_39 : i32
      %parallel_loop3A_60 = arith.index_cast %parallel_loop3A_59 : i32 to index
      %parallel_loop3A_61 = tpu.vector_load %arg7[%parallel_loop3A_60] {strides = array<i32>} : memref<40000xf32, #tpu.memory_space<vmem>>, vector<16xf32>,
      %parallel_loop3A_62 = tpu.pack_subelements %parallel_loop3A_57, %parallel_loop3A_61 {pack_format = #tpu.pack_format<interleaved>, positions = array<i32: 0, 1>} : vector<16xf32>, vector<16xf32> -> vector<32xbf16>
      %parallel_loop3A_63 = vector.bitcast %parallel_loop3A_62 : vector<32xbf16> to vector<16xi32>
      %parallel_loop3A_64 = arith.constant 10000 : i32
      %parallel_loop3A_65 = arith.addi %parallel_loop3A_64, %parallel_loop3A_39 : i32
      %parallel_loop3A_66 = arith.index_cast %parallel_loop3A_65 : i32 to index
      %parallel_loop3A_67 = tpu.vector_load %arg8[%parallel_loop3A_66] {strides = array<i32>} : memref<20000xi32, #tpu.memory_space<vmem>>, vector<16xi32>,
      tpu.vector_store %arg8[%parallel_loop3A_66], %parallel_loop3A_63 {strides = array<i32>} : memref<20000xi32, #tpu.memory_space<vmem>>, vector<16xi32>,
    } {sc.loop_unroll_factor = 8 : i64, sc.parallel_access}
    %scan3A = arith.constant 0 : i32
    %scan3A_35 = arith.constant 10 : i32
    %scan3A_36 = arith.addi %scan3A, %scan3A_35 : i32
    %scan3A_37 = arith.constant 1 : i32
    scf.for %scan3A_39 = %scan3A to %scan3A_36 step %scan3A_37  : i32 {
      %mul3A_40 = arith.constant 2 : i32
      %mul3A_41 = arith.muli %scan3A_39, %mul3A_40 : i32
      %add3A_42 = arith.constant 0 : i32
      %add3A_43 = arith.addi %add3A_42, %mul3A_41 : i32
      %dma_wait3A_44 = arith.constant 0 : i32
      %dma_wait3A_45 = tpu.memref_slice %arg3[%dma_wait3A_44] : memref<160000xi32, #tpu.memory_space<hbm>> -> memref<8000xi32, #tpu.memory_space<hbm>>
      %dma_wait3A_46 = arith.constant 0 : i32
      %dma_wait3A_47 = tpu.memref_slice %arg3[%dma_wait3A_46] : memref<160000xi32, #tpu.memory_space<hbm>> -> memref<8000xi32, #tpu.memory_space<hbm>>
      tpu.wait_dma2 semaphore(%arg15 : memref<!tpu.dma_semaphore, #tpu.memory_space<semaphore_mem>>) src(%dma_wait3A_47 : memref<8000xi32, #tpu.memory_space<hbm>>) dst(%arg9 : memref<8000xi32, #tpu.memory_space<vmem>>)
      %dma_wait3A_48 = arith.constant 0 : i32
      %dma_wait3A_49 = tpu.memref_slice %arg4[%dma_wait3A_48] : memref<160000xi32, #tpu.memory_space<hbm>> -> memref<8000xi32, #tpu.memory_space<hbm>>
      %dma_wait3A_50 = arith.constant 0 : i32
      %dma_wait3A_51 = tpu.memref_slice %arg4[%dma_wait3A_50] : memref<160000xi32, #tpu.memory_space<hbm>> -> memref<8000xi32, #tpu.memory_space<hbm>>
      tpu.wait_dma2 semaphore(%arg15 : memref<!tpu.dma_semaphore, #tpu.memory_space<semaphore_mem>>) src(%dma_wait3A_51 : memref<8000xi32, #tpu.memory_space<hbm>>) dst(%arg10 : memref<8000xi32, #tpu.memory_space<vmem>>)
      %dma_wait3A_52 = arith.constant 0 : i32
      %dma_wait3A_53 = tpu.memref_slice %arg5[%dma_wait3A_52] : memref<160000xi32, #tpu.memory_space<hbm>> -> memref<8000xi32, #tpu.memory_space<hbm>>
      %dma_wait3A_54 = arith.constant 0 : i32
      %dma_wait3A_55 = tpu.memref_slice %arg5[%dma_wait3A_54] : memref<160000xi32, #tpu.memory_space<hbm>> -> memref<8000xi32, #tpu.memory_space<hbm>>
      tpu.wait_dma2 semaphore(%arg15 : memref<!tpu.dma_semaphore, #tpu.memory_space<semaphore_mem>>) src(%dma_wait3A_55 : memref<8000xi32, #tpu.memory_space<hbm>>) dst(%arg11 : memref<8000xi32, #tpu.memory_space<vmem>>)
      %parallel_loop3A_56 = arith.constant 0 : i32
      %parallel_loop3A_57 = arith.constant 8000 : i32
      %parallel_loop3A_58 = arith.constant 16 : i32
      scf.for %parallel_loop3A_85 = %parallel_loop3A_56 to %parallel_loop3A_57 step %parallel_loop3A_58  : i32 {
        %parallel_loop3A_86 = arith.index_cast %parallel_loop3A_85 : i32 to index
        %parallel_loop3A_87 = tpu.vector_load %arg9[%parallel_loop3A_86] {strides = array<i32>} : memref<8000xi32, #tpu.memory_space<vmem>>, vector<16xi32>,
        %parallel_loop3A_88 = arith.index_cast %parallel_loop3A_85 : i32 to index
        %parallel_loop3A_89 = tpu.vector_load %arg10[%parallel_loop3A_88] {strides = array<i32>} : memref<8000xi32, #tpu.memory_space<vmem>>, vector<16xi32>,
        %parallel_loop3A_90 = arith.index_cast %parallel_loop3A_85 : i32 to index
        %parallel_loop3A_91 = tpu.vector_load %arg11[%parallel_loop3A_90] {strides = array<i32>} : memref<8000xi32, #tpu.memory_space<vmem>>, vector<16xi32>,
        %parallel_loop3A_92 = vector.bitcast %parallel_loop3A_87 : vector<16xi32> to vector<32xi16>
        %parallel_loop3A_93 = tpu.unpack_subelements %parallel_loop3A_92, 0 {pack_format = #tpu.pack_format<interleaved>} : vector<32xi16> -> vector<16xi32>
        %parallel_loop3A_94 = tpu.unpack_subelements %parallel_loop3A_92, 1 {pack_format = #tpu.pack_format<interleaved>} : vector<32xi16> -> vector<16xi32>
        %parallel_loop3A_95 = vector.bitcast %parallel_loop3A_89 : vector<16xi32> to vector<32xi16>
        %parallel_loop3A_96 = tpu.unpack_subelements %parallel_loop3A_95, 0 {pack_format = #tpu.pack_format<interleaved>} : vector<32xi16> -> vector<16xi32>
        %parallel_loop3A_97 = tpu.unpack_subelements %parallel_loop3A_95, 1 {pack_format = #tpu.pack_format<interleaved>} : vector<32xi16> -> vector<16xi32>
        %parallel_loop3A_98 = vector.bitcast %parallel_loop3A_91 : vector<16xi32> to vector<32xbf16>
        %parallel_loop3A_99 = tpu.unpack_subelements %parallel_loop3A_98, 0 {pack_format = #tpu.pack_format<interleaved>} : vector<32xbf16> -> vector<16xf32>
        %parallel_loop3A_100 = tpu.unpack_subelements %parallel_loop3A_98, 1 {pack_format = #tpu.pack_format<interleaved>} : vector<32xbf16> -> vector<16xf32>
        %parallel_loop3A_101 = arith.constant 0 : i32
        %parallel_loop3A_102 = tpu.memref_slice %arg8[%parallel_loop3A_101] : memref<20000xi32, #tpu.memory_space<vmem>> -> memref<10000xi32, #tpu.memory_space<vmem>>
        %parallel_loop3A_103 = tpu.vector_load_idx %parallel_loop3A_102[%parallel_loop3A_93] : memref<10000xi32, #tpu.memory_space<vmem>>[vector<16xi32>], vector<16xi32>,
        %parallel_loop3A_104 = vector.bitcast %parallel_loop3A_103 : vector<16xi32> to vector<32xbf16>
        %parallel_loop3A_105 = tpu.unpack_subelements %parallel_loop3A_104, 0 {pack_format = #tpu.pack_format<interleaved>} : vector<32xbf16> -> vector<16xf32>
        %parallel_loop3A_106 = tpu.unpack_subelements %parallel_loop3A_104, 1 {pack_format = #tpu.pack_format<interleaved>} : vector<32xbf16> -> vector<16xf32>
        %parallel_loop3A_107 = arith.mulf %parallel_loop3A_105, %parallel_loop3A_99 : vector<16xf32>
        %parallel_loop3A_108 = arith.constant 0 : i32
        %parallel_loop3A_109 = tpu.memref_slice %arg7[%parallel_loop3A_108] : memref<40000xf32, #tpu.memory_space<vmem>> -> memref<10000xf32, #tpu.memory_space<vmem>>
        tpu.vector_store_idx %parallel_loop3A_109[%parallel_loop3A_96], %parallel_loop3A_107 {add = true} : memref<10000xf32, #tpu.memory_space<vmem>>[vector<16xi32>], vector<16xf32>,
        %parallel_loop3A_110 = arith.mulf %parallel_loop3A_106, %parallel_loop3A_99 : vector<16xf32>
        %parallel_loop3A_111 = arith.constant 10000 : i32
        %parallel_loop3A_112 = tpu.memref_slice %arg7[%parallel_loop3A_111] : memref<40000xf32, #tpu.memory_space<vmem>> -> memref<10000xf32, #tpu.memory_space<vmem>>
        tpu.vector_store_idx %parallel_loop3A_112[%parallel_loop3A_96], %parallel_loop3A_110 {add = true} : memref<10000xf32, #tpu.memory_space<vmem>>[vector<16xi32>], vector<16xf32>,
        %parallel_loop3A_113 = arith.constant 10000 : i32
        %parallel_loop3A_114 = tpu.memref_slice %arg8[%parallel_loop3A_113] : memref<20000xi32, #tpu.memory_space<vmem>> -> memref<10000xi32, #tpu.memory_space<vmem>>
        %parallel_loop3A_115 = tpu.vector_load_idx %parallel_loop3A_114[%parallel_loop3A_93] : memref<10000xi32, #tpu.memory_space<vmem>>[vector<16xi32>], vector<16xi32>,
        %parallel_loop3A_116 = vector.bitcast %parallel_loop3A_115 : vector<16xi32> to vector<32xbf16>
        %parallel_loop3A_117 = tpu.unpack_subelements %parallel_loop3A_116, 0 {pack_format = #tpu.pack_format<interleaved>} : vector<32xbf16> -> vector<16xf32>
        %parallel_loop3A_118 = tpu.unpack_subelements %parallel_loop3A_116, 1 {pack_format = #tpu.pack_format<interleaved>} : vector<32xbf16> -> vector<16xf32>
        %parallel_loop3A_119 = arith.mulf %parallel_loop3A_117, %parallel_loop3A_99 : vector<16xf32>
        %parallel_loop3A_120 = arith.constant 20000 : i32
        %parallel_loop3A_121 = tpu.memref_slice %arg7[%parallel_loop3A_120] : memref<40000xf32, #tpu.memory_space<vmem>> -> memref<10000xf32, #tpu.memory_space<vmem>>
        tpu.vector_store_idx %parallel_loop3A_121[%parallel_loop3A_96], %parallel_loop3A_119 {add = true} : memref<10000xf32, #tpu.memory_space<vmem>>[vector<16xi32>], vector<16xf32>,
        %parallel_loop3A_122 = arith.mulf %parallel_loop3A_118, %parallel_loop3A_99 : vector<16xf32>
        %parallel_loop3A_123 = arith.constant 30000 : i32
        %parallel_loop3A_124 = tpu.memref_slice %arg7[%parallel_loop3A_123] : memref<40000xf32, #tpu.memory_space<vmem>> -> memref<10000xf32, #tpu.memory_space<vmem>>
        tpu.vector_store_idx %parallel_loop3A_124[%parallel_loop3A_96], %parallel_loop3A_122 {add = true} : memref<10000xf32, #tpu.memory_space<vmem>>[vector<16xi32>], vector<16xf32>,
        %parallel_loop3A_125 = arith.constant 0 : i32
        %parallel_loop3A_126 = tpu.memref_slice %arg8[%parallel_loop3A_125] : memref<20000xi32, #tpu.memory_space<vmem>> -> memref<10000xi32, #tpu.memory_space<vmem>>
        %parallel_loop3A_127 = tpu.vector_load_idx %parallel_loop3A_126[%parallel_loop3A_94] : memref<10000xi32, #tpu.memory_space<vmem>>[vector<16xi32>], vector<16xi32>,
        %parallel_loop3A_128 = vector.bitcast %parallel_loop3A_127 : vector<16xi32> to vector<32xbf16>
        %parallel_loop3A_129 = tpu.unpack_subelements %parallel_loop3A_128, 0 {pack_format = #tpu.pack_format<interleaved>} : vector<32xbf16> -> vector<16xf32>
        %parallel_loop3A_130 = tpu.unpack_subelements %parallel_loop3A_128, 1 {pack_format = #tpu.pack_format<interleaved>} : vector<32xbf16> -> vector<16xf32>
        %parallel_loop3A_131 = arith.mulf %parallel_loop3A_129, %parallel_loop3A_100 : vector<16xf32>
        %parallel_loop3A_132 = arith.constant 0 : i32
        %parallel_loop3A_133 = tpu.memref_slice %arg7[%parallel_loop3A_132] : memref<40000xf32, #tpu.memory_space<vmem>> -> memref<10000xf32, #tpu.memory_space<vmem>>
        tpu.vector_store_idx %parallel_loop3A_133[%parallel_loop3A_97], %parallel_loop3A_131 {add = true} : memref<10000xf32, #tpu.memory_space<vmem>>[vector<16xi32>], vector<16xf32>,
        %parallel_loop3A_134 = arith.mulf %parallel_loop3A_130, %parallel_loop3A_100 : vector<16xf32>
        %parallel_loop3A_135 = arith.constant 10000 : i32
        %parallel_loop3A_136 = tpu.memref_slice %arg7[%parallel_loop3A_135] : memref<40000xf32, #tpu.memory_space<vmem>> -> memref<10000xf32, #tpu.memory_space<vmem>>
        tpu.vector_store_idx %parallel_loop3A_136[%parallel_loop3A_97], %parallel_loop3A_134 {add = true} : memref<10000xf32, #tpu.memory_space<vmem>>[vector<16xi32>], vector<16xf32>,
        %parallel_loop3A_137 = arith.constant 10000 : i32
        %parallel_loop3A_138 = tpu.memref_slice %arg8[%parallel_loop3A_137] : memref<20000xi32, #tpu.memory_space<vmem>> -> memref<10000xi32, #tpu.memory_space<vmem>>
        %parallel_loop3A_139 = tpu.vector_load_idx %parallel_loop3A_138[%parallel_loop3A_94] : memref<10000xi32, #tpu.memory_space<vmem>>[vector<16xi32>], vector<16xi32>,
        %parallel_loop3A_140 = vector.bitcast %parallel_loop3A_139 : vector<16xi32> to vector<32xbf16>
        %parallel_loop3A_141 = tpu.unpack_subelements %parallel_loop3A_140, 0 {pack_format = #tpu.pack_format<interleaved>} : vector<32xbf16> -> vector<16xf32>
        %parallel_loop3A_142 = tpu.unpack_subelements %parallel_loop3A_140, 1 {pack_format = #tpu.pack_format<interleaved>} : vector<32xbf16> -> vector<16xf32>
        %parallel_loop3A_143 = arith.mulf %parallel_loop3A_141, %parallel_loop3A_100 : vector<16xf32>
        %parallel_loop3A_144 = arith.constant 20000 : i32
        %parallel_loop3A_145 = tpu.memref_slice %arg7[%parallel_loop3A_144] : memref<40000xf32, #tpu.memory_space<vmem>> -> memref<10000xf32, #tpu.memory_space<vmem>>
        tpu.vector_store_idx %parallel_loop3A_145[%parallel_loop3A_97], %parallel_loop3A_143 {add = true} : memref<10000xf32, #tpu.memory_space<vmem>>[vector<16xi32>], vector<16xf32>,
        %parallel_loop3A_146 = arith.mulf %parallel_loop3A_142, %parallel_loop3A_100 : vector<16xf32>
        %parallel_loop3A_147 = arith.constant 30000 : i32
        %parallel_loop3A_148 = tpu.memref_slice %arg7[%parallel_loop3A_147] : memref<40000xf32, #tpu.memory_space<vmem>> -> memref<10000xf32, #tpu.memory_space<vmem>>
        tpu.vector_store_idx %parallel_loop3A_148[%parallel_loop3A_97], %parallel_loop3A_146 {add = true} : memref<10000xf32, #tpu.memory_space<vmem>>[vector<16xi32>], vector<16xf32>,
      } {sc.loop_unroll_factor = 4 : i64, sc.parallel_access}
      %add3A_59 = arith.constant 2 : i32
      %add3A_60 = arith.addi %add3A_43, %add3A_59 : i32
      %lt3A = arith.constant 20 : i32
      %lt3A_61 = arith.cmpi slt, %add3A_60, %lt3A : i32
      %convert_element_type3A = arith.extui %lt3A_61 : i1 to i32
      %cond3A = arith.constant 0 : i32
      %cond3A_62 = arith.cmpi ne, %convert_element_type3A, %cond3A : i32
      scf.if %cond3A_62 {
        %add3A_85 = arith.constant 2 : i32
        %add3A_86 = arith.addi %add3A_43, %add3A_85 : i32
        %mul3A_87 = arith.constant 8000 : i32
        %mul3A_88 = arith.muli %add3A_86, %mul3A_87 : i32
        %dma_start3A_89 = tpu.memref_slice %arg3[%mul3A_88] : memref<160000xi32, #tpu.memory_space<hbm>> -> memref<8000xi32, #tpu.memory_space<hbm>>
        %dma_start3A_90 = tpu.memref_slice %arg3[%mul3A_88] : memref<160000xi32, #tpu.memory_space<hbm>> -> memref<8000xi32, #tpu.memory_space<hbm>>
        tpu.enqueue_dma source(%dma_start3A_90 : memref<8000xi32, #tpu.memory_space<hbm>>) target(%arg9 : memref<8000xi32, #tpu.memory_space<vmem>>) target_semaphore(%arg15 : memref<!tpu.dma_semaphore, #tpu.memory_space<semaphore_mem>>)
        %dma_start3A_91 = tpu.memref_slice %arg4[%mul3A_88] : memref<160000xi32, #tpu.memory_space<hbm>> -> memref<8000xi32, #tpu.memory_space<hbm>>
        %dma_start3A_92 = tpu.memref_slice %arg4[%mul3A_88] : memref<160000xi32, #tpu.memory_space<hbm>> -> memref<8000xi32, #tpu.memory_space<hbm>>
        tpu.enqueue_dma source(%dma_start3A_92 : memref<8000xi32, #tpu.memory_space<hbm>>) target(%arg10 : memref<8000xi32, #tpu.memory_space<vmem>>) target_semaphore(%arg15 : memref<!tpu.dma_semaphore, #tpu.memory_space<semaphore_mem>>)
        %dma_start3A_93 = tpu.memref_slice %arg5[%mul3A_88] : memref<160000xi32, #tpu.memory_space<hbm>> -> memref<8000xi32, #tpu.memory_space<hbm>>
        %dma_start3A_94 = tpu.memref_slice %arg5[%mul3A_88] : memref<160000xi32, #tpu.memory_space<hbm>> -> memref<8000xi32, #tpu.memory_space<hbm>>
        tpu.enqueue_dma source(%dma_start3A_94 : memref<8000xi32, #tpu.memory_space<hbm>>) target(%arg11 : memref<8000xi32, #tpu.memory_space<vmem>>) target_semaphore(%arg15 : memref<!tpu.dma_semaphore, #tpu.memory_space<semaphore_mem>>)
      } else {
      }
      %dma_wait3A_63 = arith.constant 0 : i32
      %dma_wait3A_64 = tpu.memref_slice %arg3[%dma_wait3A_63] : memref<160000xi32, #tpu.memory_space<hbm>> -> memref<8000xi32, #tpu.memory_space<hbm>>
      %dma_wait3A_65 = arith.constant 0 : i32
      %dma_wait3A_66 = tpu.memref_slice %arg3[%dma_wait3A_65] : memref<160000xi32, #tpu.memory_space<hbm>> -> memref<8000xi32, #tpu.memory_space<hbm>>
      tpu.wait_dma2 semaphore(%arg16 : memref<!tpu.dma_semaphore, #tpu.memory_space<semaphore_mem>>) src(%dma_wait3A_66 : memref<8000xi32, #tpu.memory_space<hbm>>) dst(%arg12 : memref<8000xi32, #tpu.memory_space<vmem>>)
      %dma_wait3A_67 = arith.constant 0 : i32
      %dma_wait3A_68 = tpu.memref_slice %arg4[%dma_wait3A_67] : memref<160000xi32, #tpu.memory_space<hbm>> -> memref<8000xi32, #tpu.memory_space<hbm>>
      %dma_wait3A_69 = arith.constant 0 : i32
      %dma_wait3A_70 = tpu.memref_slice %arg4[%dma_wait3A_69] : memref<160000xi32, #tpu.memory_space<hbm>> -> memref<8000xi32, #tpu.memory_space<hbm>>
      tpu.wait_dma2 semaphore(%arg16 : memref<!tpu.dma_semaphore, #tpu.memory_space<semaphore_mem>>) src(%dma_wait3A_70 : memref<8000xi32, #tpu.memory_space<hbm>>) dst(%arg13 : memref<8000xi32, #tpu.memory_space<vmem>>)
      %dma_wait3A_71 = arith.constant 0 : i32
      %dma_wait3A_72 = tpu.memref_slice %arg5[%dma_wait3A_71] : memref<160000xi32, #tpu.memory_space<hbm>> -> memref<8000xi32, #tpu.memory_space<hbm>>
      %dma_wait3A_73 = arith.constant 0 : i32
      %dma_wait3A_74 = tpu.memref_slice %arg5[%dma_wait3A_73] : memref<160000xi32, #tpu.memory_space<hbm>> -> memref<8000xi32, #tpu.memory_space<hbm>>
      tpu.wait_dma2 semaphore(%arg16 : memref<!tpu.dma_semaphore, #tpu.memory_space<semaphore_mem>>) src(%dma_wait3A_74 : memref<8000xi32, #tpu.memory_space<hbm>>) dst(%arg14 : memref<8000xi32, #tpu.memory_space<vmem>>)
      %parallel_loop3A_75 = arith.constant 0 : i32
      %parallel_loop3A_76 = arith.constant 8000 : i32
      %parallel_loop3A_77 = arith.constant 16 : i32
      scf.for %parallel_loop3A_85 = %parallel_loop3A_75 to %parallel_loop3A_76 step %parallel_loop3A_77  : i32 {
        %parallel_loop3A_86 = arith.index_cast %parallel_loop3A_85 : i32 to index
        %parallel_loop3A_87 = tpu.vector_load %arg12[%parallel_loop3A_86] {strides = array<i32>} : memref<8000xi32, #tpu.memory_space<vmem>>, vector<16xi32>,
        %parallel_loop3A_88 = arith.index_cast %parallel_loop3A_85 : i32 to index
        %parallel_loop3A_89 = tpu.vector_load %arg13[%parallel_loop3A_88] {strides = array<i32>} : memref<8000xi32, #tpu.memory_space<vmem>>, vector<16xi32>,
        %parallel_loop3A_90 = arith.index_cast %parallel_loop3A_85 : i32 to index
        %parallel_loop3A_91 = tpu.vector_load %arg14[%parallel_loop3A_90] {strides = array<i32>} : memref<8000xi32, #tpu.memory_space<vmem>>, vector<16xi32>,
        %parallel_loop3A_92 = vector.bitcast %parallel_loop3A_87 : vector<16xi32> to vector<32xi16>
        %parallel_loop3A_93 = tpu.unpack_subelements %parallel_loop3A_92, 0 {pack_format = #tpu.pack_format<interleaved>} : vector<32xi16> -> vector<16xi32>
        %parallel_loop3A_94 = tpu.unpack_subelements %parallel_loop3A_92, 1 {pack_format = #tpu.pack_format<interleaved>} : vector<32xi16> -> vector<16xi32>
        %parallel_loop3A_95 = vector.bitcast %parallel_loop3A_89 : vector<16xi32> to vector<32xi16>
        %parallel_loop3A_96 = tpu.unpack_subelements %parallel_loop3A_95, 0 {pack_format = #tpu.pack_format<interleaved>} : vector<32xi16> -> vector<16xi32>
        %parallel_loop3A_97 = tpu.unpack_subelements %parallel_loop3A_95, 1 {pack_format = #tpu.pack_format<interleaved>} : vector<32xi16> -> vector<16xi32>
        %parallel_loop3A_98 = vector.bitcast %parallel_loop3A_91 : vector<16xi32> to vector<32xbf16>
        %parallel_loop3A_99 = tpu.unpack_subelements %parallel_loop3A_98, 0 {pack_format = #tpu.pack_format<interleaved>} : vector<32xbf16> -> vector<16xf32>
        %parallel_loop3A_100 = tpu.unpack_subelements %parallel_loop3A_98, 1 {pack_format = #tpu.pack_format<interleaved>} : vector<32xbf16> -> vector<16xf32>
        %parallel_loop3A_101 = arith.constant 0 : i32
        %parallel_loop3A_102 = tpu.memref_slice %arg8[%parallel_loop3A_101] : memref<20000xi32, #tpu.memory_space<vmem>> -> memref<10000xi32, #tpu.memory_space<vmem>>
        %parallel_loop3A_103 = tpu.vector_load_idx %parallel_loop3A_102[%parallel_loop3A_93] : memref<10000xi32, #tpu.memory_space<vmem>>[vector<16xi32>], vector<16xi32>,
        %parallel_loop3A_104 = vector.bitcast %parallel_loop3A_103 : vector<16xi32> to vector<32xbf16>
        %parallel_loop3A_105 = tpu.unpack_subelements %parallel_loop3A_104, 0 {pack_format = #tpu.pack_format<interleaved>} : vector<32xbf16> -> vector<16xf32>
        %parallel_loop3A_106 = tpu.unpack_subelements %parallel_loop3A_104, 1 {pack_format = #tpu.pack_format<interleaved>} : vector<32xbf16> -> vector<16xf32>
        %parallel_loop3A_107 = arith.mulf %parallel_loop3A_105, %parallel_loop3A_99 : vector<16xf32>
        %parallel_loop3A_108 = arith.constant 0 : i32
        %parallel_loop3A_109 = tpu.memref_slice %arg7[%parallel_loop3A_108] : memref<40000xf32, #tpu.memory_space<vmem>> -> memref<10000xf32, #tpu.memory_space<vmem>>
        tpu.vector_store_idx %parallel_loop3A_109[%parallel_loop3A_96], %parallel_loop3A_107 {add = true} : memref<10000xf32, #tpu.memory_space<vmem>>[vector<16xi32>], vector<16xf32>,
        %parallel_loop3A_110 = arith.mulf %parallel_loop3A_106, %parallel_loop3A_99 : vector<16xf32>
        %parallel_loop3A_111 = arith.constant 10000 : i32
        %parallel_loop3A_112 = tpu.memref_slice %arg7[%parallel_loop3A_111] : memref<40000xf32, #tpu.memory_space<vmem>> -> memref<10000xf32, #tpu.memory_space<vmem>>
        tpu.vector_store_idx %parallel_loop3A_112[%parallel_loop3A_96], %parallel_loop3A_110 {add = true} : memref<10000xf32, #tpu.memory_space<vmem>>[vector<16xi32>], vector<16xf32>,
        %parallel_loop3A_113 = arith.constant 10000 : i32
        %parallel_loop3A_114 = tpu.memref_slice %arg8[%parallel_loop3A_113] : memref<20000xi32, #tpu.memory_space<vmem>> -> memref<10000xi32, #tpu.memory_space<vmem>>
        %parallel_loop3A_115 = tpu.vector_load_idx %parallel_loop3A_114[%parallel_loop3A_93] : memref<10000xi32, #tpu.memory_space<vmem>>[vector<16xi32>], vector<16xi32>,
        %parallel_loop3A_116 = vector.bitcast %parallel_loop3A_115 : vector<16xi32> to vector<32xbf16>
        %parallel_loop3A_117 = tpu.unpack_subelements %parallel_loop3A_116, 0 {pack_format = #tpu.pack_format<interleaved>} : vector<32xbf16> -> vector<16xf32>
        %parallel_loop3A_118 = tpu.unpack_subelements %parallel_loop3A_116, 1 {pack_format = #tpu.pack_format<interleaved>} : vector<32xbf16> -> vector<16xf32>
        %parallel_loop3A_119 = arith.mulf %parallel_loop3A_117, %parallel_loop3A_99 : vector<16xf32>
        %parallel_loop3A_120 = arith.constant 20000 : i32
        %parallel_loop3A_121 = tpu.memref_slice %arg7[%parallel_loop3A_120] : memref<40000xf32, #tpu.memory_space<vmem>> -> memref<10000xf32, #tpu.memory_space<vmem>>
        tpu.vector_store_idx %parallel_loop3A_121[%parallel_loop3A_96], %parallel_loop3A_119 {add = true} : memref<10000xf32, #tpu.memory_space<vmem>>[vector<16xi32>], vector<16xf32>,
        %parallel_loop3A_122 = arith.mulf %parallel_loop3A_118, %parallel_loop3A_99 : vector<16xf32>
        %parallel_loop3A_123 = arith.constant 30000 : i32
        %parallel_loop3A_124 = tpu.memref_slice %arg7[%parallel_loop3A_123] : memref<40000xf32, #tpu.memory_space<vmem>> -> memref<10000xf32, #tpu.memory_space<vmem>>
        tpu.vector_store_idx %parallel_loop3A_124[%parallel_loop3A_96], %parallel_loop3A_122 {add = true} : memref<10000xf32, #tpu.memory_space<vmem>>[vector<16xi32>], vector<16xf32>,
        %parallel_loop3A_125 = arith.constant 0 : i32
        %parallel_loop3A_126 = tpu.memref_slice %arg8[%parallel_loop3A_125] : memref<20000xi32, #tpu.memory_space<vmem>> -> memref<10000xi32, #tpu.memory_space<vmem>>
        %parallel_loop3A_127 = tpu.vector_load_idx %parallel_loop3A_126[%parallel_loop3A_94] : memref<10000xi32, #tpu.memory_space<vmem>>[vector<16xi32>], vector<16xi32>,
        %parallel_loop3A_128 = vector.bitcast %parallel_loop3A_127 : vector<16xi32> to vector<32xbf16>
        %parallel_loop3A_129 = tpu.unpack_subelements %parallel_loop3A_128, 0 {pack_format = #tpu.pack_format<interleaved>} : vector<32xbf16> -> vector<16xf32>
        %parallel_loop3A_130 = tpu.unpack_subelements %parallel_loop3A_128, 1 {pack_format = #tpu.pack_format<interleaved>} : vector<32xbf16> -> vector<16xf32>
        %parallel_loop3A_131 = arith.mulf %parallel_loop3A_129, %parallel_loop3A_100 : vector<16xf32>
        %parallel_loop3A_132 = arith.constant 0 : i32
        %parallel_loop3A_133 = tpu.memref_slice %arg7[%parallel_loop3A_132] : memref<40000xf32, #tpu.memory_space<vmem>> -> memref<10000xf32, #tpu.memory_space<vmem>>
        tpu.vector_store_idx %parallel_loop3A_133[%parallel_loop3A_97], %parallel_loop3A_131 {add = true} : memref<10000xf32, #tpu.memory_space<vmem>>[vector<16xi32>], vector<16xf32>,
        %parallel_loop3A_134 = arith.mulf %parallel_loop3A_130, %parallel_loop3A_100 : vector<16xf32>
        %parallel_loop3A_135 = arith.constant 10000 : i32
        %parallel_loop3A_136 = tpu.memref_slice %arg7[%parallel_loop3A_135] : memref<40000xf32, #tpu.memory_space<vmem>> -> memref<10000xf32, #tpu.memory_space<vmem>>
        tpu.vector_store_idx %parallel_loop3A_136[%parallel_loop3A_97], %parallel_loop3A_134 {add = true} : memref<10000xf32, #tpu.memory_space<vmem>>[vector<16xi32>], vector<16xf32>,
        %parallel_loop3A_137 = arith.constant 10000 : i32
        %parallel_loop3A_138 = tpu.memref_slice %arg8[%parallel_loop3A_137] : memref<20000xi32, #tpu.memory_space<vmem>> -> memref<10000xi32, #tpu.memory_space<vmem>>
        %parallel_loop3A_139 = tpu.vector_load_idx %parallel_loop3A_138[%parallel_loop3A_94] : memref<10000xi32, #tpu.memory_space<vmem>>[vector<16xi32>], vector<16xi32>,
        %parallel_loop3A_140 = vector.bitcast %parallel_loop3A_139 : vector<16xi32> to vector<32xbf16>
        %parallel_loop3A_141 = tpu.unpack_subelements %parallel_loop3A_140, 0 {pack_format = #tpu.pack_format<interleaved>} : vector<32xbf16> -> vector<16xf32>
        %parallel_loop3A_142 = tpu.unpack_subelements %parallel_loop3A_140, 1 {pack_format = #tpu.pack_format<interleaved>} : vector<32xbf16> -> vector<16xf32>
        %parallel_loop3A_143 = arith.mulf %parallel_loop3A_141, %parallel_loop3A_100 : vector<16xf32>
        %parallel_loop3A_144 = arith.constant 20000 : i32
        %parallel_loop3A_145 = tpu.memref_slice %arg7[%parallel_loop3A_144] : memref<40000xf32, #tpu.memory_space<vmem>> -> memref<10000xf32, #tpu.memory_space<vmem>>
        tpu.vector_store_idx %parallel_loop3A_145[%parallel_loop3A_97], %parallel_loop3A_143 {add = true} : memref<10000xf32, #tpu.memory_space<vmem>>[vector<16xi32>], vector<16xf32>,
        %parallel_loop3A_146 = arith.mulf %parallel_loop3A_142, %parallel_loop3A_100 : vector<16xf32>
        %parallel_loop3A_147 = arith.constant 30000 : i32
        %parallel_loop3A_148 = tpu.memref_slice %arg7[%parallel_loop3A_147] : memref<40000xf32, #tpu.memory_space<vmem>> -> memref<10000xf32, #tpu.memory_space<vmem>>
        tpu.vector_store_idx %parallel_loop3A_148[%parallel_loop3A_97], %parallel_loop3A_146 {add = true} : memref<10000xf32, #tpu.memory_space<vmem>>[vector<16xi32>], vector<16xf32>,
      } {sc.loop_unroll_factor = 4 : i64, sc.parallel_access}
      %add3A_78 = arith.constant 3 : i32
      %add3A_79 = arith.addi %add3A_43, %add3A_78 : i32
      %lt3A_80 = arith.constant 20 : i32
      %lt3A_81 = arith.cmpi slt, %add3A_79, %lt3A_80 : i32
      %convert_element_type3A_82 = arith.extui %lt3A_81 : i1 to i32
      %cond3A_83 = arith.constant 0 : i32
      %cond3A_84 = arith.cmpi ne, %convert_element_type3A_82, %cond3A_83 : i32
      scf.if %cond3A_84 {
        %add3A_85 = arith.constant 3 : i32
        %add3A_86 = arith.addi %add3A_43, %add3A_85 : i32
        %mul3A_87 = arith.constant 8000 : i32
        %mul3A_88 = arith.muli %add3A_86, %mul3A_87 : i32
        %dma_start3A_89 = tpu.memref_slice %arg3[%mul3A_88] : memref<160000xi32, #tpu.memory_space<hbm>> -> memref<8000xi32, #tpu.memory_space<hbm>>
        %dma_start3A_90 = tpu.memref_slice %arg3[%mul3A_88] : memref<160000xi32, #tpu.memory_space<hbm>> -> memref<8000xi32, #tpu.memory_space<hbm>>
        tpu.enqueue_dma source(%dma_start3A_90 : memref<8000xi32, #tpu.memory_space<hbm>>) target(%arg12 : memref<8000xi32, #tpu.memory_space<vmem>>) target_semaphore(%arg16 : memref<!tpu.dma_semaphore, #tpu.memory_space<semaphore_mem>>)
        %dma_start3A_91 = tpu.memref_slice %arg4[%mul3A_88] : memref<160000xi32, #tpu.memory_space<hbm>> -> memref<8000xi32, #tpu.memory_space<hbm>>
        %dma_start3A_92 = tpu.memref_slice %arg4[%mul3A_88] : memref<160000xi32, #tpu.memory_space<hbm>> -> memref<8000xi32, #tpu.memory_space<hbm>>
        tpu.enqueue_dma source(%dma_start3A_92 : memref<8000xi32, #tpu.memory_space<hbm>>) target(%arg13 : memref<8000xi32, #tpu.memory_space<vmem>>) target_semaphore(%arg16 : memref<!tpu.dma_semaphore, #tpu.memory_space<semaphore_mem>>)
        %dma_start3A_93 = tpu.memref_slice %arg5[%mul3A_88] : memref<160000xi32, #tpu.memory_space<hbm>> -> memref<8000xi32, #tpu.memory_space<hbm>>
        %dma_start3A_94 = tpu.memref_slice %arg5[%mul3A_88] : memref<160000xi32, #tpu.memory_space<hbm>> -> memref<8000xi32, #tpu.memory_space<hbm>>
        tpu.enqueue_dma source(%dma_start3A_94 : memref<8000xi32, #tpu.memory_space<hbm>>) target(%arg14 : memref<8000xi32, #tpu.memory_space<vmem>>) target_semaphore(%arg16 : memref<!tpu.dma_semaphore, #tpu.memory_space<semaphore_mem>>)
      } else {
      }
    }
    %scan3A_38 = arith.constant 10 : i32
    "tpu.region"() ({
      %run_scoped3A = tpu.sem_alloc : memref<!tpu.dma_semaphore, #tpu.memory_space<semaphore_mem>>
      %dma_start3A_39 = tpu.memref_slice %arg6[%mul3A_4] : memref<1280000xf32, #tpu.memory_space<hbm>> -> memref<40000xf32, #tpu.memory_space<hbm>>
      %dma_start3A_40 = tpu.memref_slice %arg6[%mul3A_4] : memref<1280000xf32, #tpu.memory_space<hbm>> -> memref<40000xf32, #tpu.memory_space<hbm>>
      tpu.enqueue_dma source(%arg7 : memref<40000xf32, #tpu.memory_space<vmem>>) target(%dma_start3A_40 : memref<40000xf32, #tpu.memory_space<hbm>>) target_semaphore(%run_scoped3A : memref<!tpu.dma_semaphore, #tpu.memory_space<semaphore_mem>>)
      %dma_wait3A_41 = tpu.memref_slice %arg6[%mul3A_4] : memref<1280000xf32, #tpu.memory_space<hbm>> -> memref<40000xf32, #tpu.memory_space<hbm>>
      %dma_wait3A_42 = tpu.memref_slice %arg6[%mul3A_4] : memref<1280000xf32, #tpu.memory_space<hbm>> -> memref<40000xf32, #tpu.memory_space<hbm>>
      tpu.wait_dma2 semaphore(%run_scoped3A : memref<!tpu.dma_semaphore, #tpu.memory_space<semaphore_mem>>) src(%arg7 : memref<40000xf32, #tpu.memory_space<vmem>>) dst(%dma_wait3A_42 : memref<40000xf32, #tpu.memory_space<hbm>>)
      tpu.yield
    }) : () -> ()
    return
  }
}

</mosaic_0001>

<sc_bundles>
// kernel: _structured_logits_sc.3.cloned.1.call-start
scs
__scs_entry_jumppad:
0x0: {  	(pc) =	sbr.rel $0x88, $3  }
0x1: {  	(tag) =	ssettag $0x0;
	lr =	simm.s32 $0x1  }
0x2: {  	[smem:$0x3F9D] =	sst lr;
	_ =	strace $0xD0000000  }
0x3: {  	_ = 	snop  }
0x4: {  	_ = 	snop  }
0x5: {  	_ = 	snop  }
0x6: {  	_ = 	snop  }
0x7: {  	_ = 	snop  }
__scs_overlays_trampoline_lowered:
0x8: {  	[smem:$0x3FAC] =	sst s0  }
0x9: {  	[smem:$0x3FAD] =	sst s1  }
0xa: {  	[smem:$0x3FAE] =	sst s2  }
0xb: {  	[smem:$0x3FAF] =	sst s3  }
0xc: {  	[smem:$0x3FB0] =	sst s4  }
0xd: {  	[smem:$0x3FB1] =	sst s5  }
0xe: {  	[smem:$0x3FB2] =	sst s6  }
0xf: {  	[smem:$0x3FB3] =	sst s7  }
0x10: {  	[smem:$0x3FB4] =	sst s8  }
0x11: {  	[smem:$0x3FB5] =	sst s9;
	s0 =	simm.s32 @!p0 $0x0  }
0x12: {  	s1 =	sld [smem:$0x3F9B];
	s0 =	simm.s32 @p0 $0x1  }
0x13: {  	[smem:$0x3FB6] =	sst s0;
	s0 =	simm.s32 @!p1 $0x0  }
0x14: {  	s2 =	sld [smem:$0x3F9A];
	s0 =	simm.s32 @p1 $0x1  }
0x15: {  	[smem:$0x3FB7] =	sst s0;
	s0 =	simm.s32 @!p2 $0x0  }
0x16: {  	s3 =	sld [smem:$0x3FDB];
	s0 =	simm.s32 @p2 $0x1  }
0x17: {  	s4 =	simm.s32 $0x1BF5;
	[smem:$0x3FB9] =	sst s0  }
0x18: {  	s0 =	sld [smem:$0x3F9C];
	_ =	swait.ge [sflag:s4], $0x0  }
0x19: {  	s7 =	sld [smem:$0x3F9D]  }
0x1a: {  	s8 =	sadd.s32 $0xFFFFE003, lr  }
0x1b: {  	s9 =	sadd.s32 $0xFFFFFEF7, lr;
	s5 =	simm.s32 $0xFFFFFFFF;
	p2 =	slt.u32 s8, $0xFFFFF086  }
0x1c: {  	p1 =	slt.u32 s9, $0xF7A;
	s5 =	simm.s32 @!p2 $0x0  }
0x1d: {  	s5 =	simm.s32 @p1 $0x1;
	p0 =	seq.s32 s7, s2  }
0x1e: {  	s7 =	smul.u32 @!p0 $0xF7A, s2;
	p2 =	seq.s32 @!p0 s5, $0x0  }
0x1f: {  	s9 =	smul.u32 $0xF7A, s1;
	s8 =	simm.s32 @!p0 $0x1BF5;
	p2 =	por !p2, p0  }
0x20: {  	[sflag:s8] =	ssyncset.s32 @!p0 $0xFFFFF086;
	s6 =	sadd.s32 @!p0 s3, s7;
	s7 =	simm.s32 @!p0 $0x108  }
0x21: {  	s3 =	sadd.s32 s3, s9;
	s6 =	sadd.s32 @!p0 $0x88, s6;
	s7 =	simm.s32 @p2 $0x1082  }
0x22: {  	[simem:s7], [sflag:s8] =	dma.local @!p0 [hbm:s6], $0xF7A  }
0x23: {  	s9 =	sor.u32 $0xD0000000, s2;
	s6 =	simm.s32 $0x108;
	_ =	swait.ge @!p0 [sflag:s8], $0x0  }
0x24: {  	s3 =	sadd.s32 $0x88, s3;
	s6 =	simm.s32 @!p1 $0x1082;
	[sflag:s4] =	ssyncset.s32 $0xFFFFF086  }
0x25: {  	[simem:s6], [sflag:s4] =	dma.local [hbm:s3], $0xF7A  }
0x26: {  	[smem:$0x3F9D] =	sst s1;
	(tag) =	ssettag s2;
	_ =	strace s9  }
0x27: {  	s1 =	sld [smem:$0x3FAD]  }
0x28: {  	s2 =	sld [smem:$0x3FAE]  }
0x29: {  	s4 =	sld [smem:$0x3FB0]  }
0x2a: {  	p0 =	seq.s32 s5, $0x0;
	s5 =	sld [smem:$0x3FB1]  }
0x2b: {  	s6 =	sld [smem:$0x3FB2]  }
0x2c: {  	s7 =	sld [smem:$0x3FB3]  }
0x2d: {  	s3 =	simm.s32 $0x108;
	s8 =	sld [smem:$0x3FB4]  }
0x2e: {  	s3 =	simm.s32 @!p0 $0x1082;
	s9 =	sld [smem:$0x3FB5]  }
0x2f: {  	lr =	sadd.s32 s0, s3;
	s0 =	sld [smem:$0x3FAC]  }
0x30: {  	s3 =	sld [smem:$0x3FAF]  }
0x31: {  	[smem:$0x3FB8] =	sst s10  }
0x32: {  	s10 =	sld [smem:$0x3FB6];
	_ =	sdelay $0x3  }
0x33: {  	p0 =	seq.s32 s10, $0x1;
	s10 =	sld [smem:$0x3FB8];
	_ =	sdelay $0x3  }
0x34: {  	[smem:$0x3FB8] =	sst s10  }
0x35: {  	s10 =	sld [smem:$0x3FB7];
	_ =	sdelay $0x3  }
0x36: {  	p1 =	seq.s32 s10, $0x1;
	s10 =	sld [smem:$0x3FB8];
	_ =	sdelay $0x3  }
0x37: {  	[smem:$0x3FB8] =	sst s10  }
0x38: {  	s10 =	sld [smem:$0x3FB9]  }
0x39: {  	_ = 	snop;
	(pc) =	sbr.ind lr, $3  }
0x3a: {  	_ = 	snop  }
0x3b: {  	_ = 	snop  }
0x3c: {  	p2 =	seq.s32 s10, $0x1;
	s10 =	sld [smem:$0x3FB8]  }
0x3d: {  	_ =	shalt  }
0x3e: {  	_ =	shalt  }
0x3f: {  	_ =	shalt  }
0x40: {  	_ =	shalt  }
0x41: {  	_ =	shalt  }
0x42: {  	_ =	shalt  }
0x43: {  	_ =	shalt  }
0x44: {  	_ =	shalt  }
0x45: {  	_ =	shalt  }
0x46: {  	_ =	shalt  }
0x47: {  	_ =	shalt  }
0x48: {  	_ =	shalt  }
0x49: {  	_ =	shalt  }
0x4a: {  	_ =	shalt  }
0x4b: {  	_ =	shalt  }
0x4c: {  	_ =	shalt  }
0x4d: {  	_ =	shalt  }
0x4e: {  	_ =	shalt  }
0x4f: {  	_ =	shalt  }
0x50: {  	_ =	shalt  }
0x51: {  	_ =	shalt  }
0x52: {  	_ =	shalt  }
0x53: {  	_ =	shalt  }
0x54: {  	_ =	shalt  }
0x55: {  	_ =	shalt  }
0x56: {  	_ =	shalt  }
0x57: {  	_ =	shalt  }
0x58: {  	_ =	shalt  }
0x59: {  	_ =	shalt  }
0x5a: {  	_ =	shalt  }
0x5b: {  	_ =	shalt  }
0x5c: {  	_ =	shalt  }
0x5d: {  	_ =	shalt  }
0x5e: {  	_ =	shalt  }
0x5f: {  	_ =	shalt  }
0x60: {  	_ =	shalt  }
0x61: {  	_ =	shalt  }
0x62: {  	_ =	shalt  }
0x63: {  	_ =	shalt  }
0x64: {  	_ =	shalt  }
0x65: {  	_ =	shalt  }
0x66: {  	_ =	shalt  }
0x67: {  	_ =	shalt  }
0x68: {  	_ =	shalt  }
0x69: {  	_ =	shalt  }
0x6a: {  	_ =	shalt  }
0x6b: {  	_ =	shalt  }
0x6c: {  	_ =	shalt  }
0x6d: {  	_ =	shalt  }
0x6e: {  	_ =	shalt  }
0x6f: {  	_ =	shalt  }
0x70: {  	_ =	shalt  }
0x71: {  	_ =	shalt  }
0x72: {  	_ =	shalt  }
0x73: {  	_ =	shalt  }
0x74: {  	_ =	shalt  }
0x75: {  	_ =	shalt  }
0x76: {  	_ =	shalt  }
0x77: {  	_ =	shalt  }
0x78: {  	_ =	shalt  }
0x79: {  	_ =	shalt  }
0x7a: {  	_ =	shalt  }
0x7b: {  	_ =	shalt  }
0x7c: {  	_ =	shalt  }
0x7d: {  	_ =	shalt  }
0x7e: {  	_ =	shalt  }
0x7f: {  	_ =	shalt  }
0x80: {  	_ =	shalt  }
0x81: {  	_ =	shalt  }
0x82: {  	_ =	shalt  }
0x83: {  	_ =	shalt  }
0x84: {  	_ =	shalt  }
0x85: {  	_ =	shalt  }
0x86: {  	_ =	shalt  }
0x87: {  	_ =	shalt  }
.Lfunc_end0:
.L_simem_size_0:
called_computation_lowered:
.L_overlay_start_0:
0x88: {  	s2 =	sld [smem:$0x3FD9]  }
0x89: {  	s3 =	sld [smem:$0x3FFE];
	_ =	sdelay $0x1  }
0x8a: {  	s1 =	srdreg.scid  }
0x8b: {  	s0 =	sand.u32 $0x1, s1  }
0x8c: {  	s17 =	sshll.u32 s0, $0xA;
	s2 =	sadd.s32 s3, s2  }
0x8d: {  	s2 =	sadd.s32 s2, s17  }
0x8e: {  	[smem:$0x3FC4] =	sst s2  }
0x8f: {  	_ = 	snop  }
0x90: {  	s2 =	sld [smem:$0x3FC8]  }
0x91: {  	s18 =	sld [smem:$0x3FC7]  }
0x92: {  	s4 =	sld [smem:$0x3FC6]  }
0x93: {  	s5 =	sld [smem:$0x3FD0];
	(tm) =	ssettm $0x1  }
0x94: {  	s6 =	sld [smem:$0x3FFB];
	_ =	sdelay $0x3  }
0x95: {  	_ =	strace s6  }
0x96: {  	s6 =	sld [smem:$0x3FFC];
	_ =	sdelay $0x3  }
0x97: {  	_ =	strace s6  }
0x98: {  	s6 =	sld [smem:$0x3FFD];
	_ =	sdelay $0x3  }
0x99: {  	_ =	strace s6  }
0x9a: {  	_ =	strace $0x8FFFFFFF  }
0x9b: {  	s19 =	sld [smem:$0x3FDB];
	_ =	sdelay $0x1  }
0x9c: {  	s7 =	simm.s32 $_scs_section_size  }
0x9d: {  	s8 =	simm.s32 $_size__tile_overlayer_lowered;
	s9 =	simm.s32 $_tile_overlayer_lowered  }
0x9e: {  	s22 =	simm.s32 $0x1BFF;
	s21 =	sshll.u32 s9, $0x1;
	s6 =	sadd.s32 s7, s19  }
0x9f: {  	s10 =	simm.s32 $0x0;
	s20 =	sshll.u32 s8, $0x1;
	s8 =	sadd.s32 s21, s6  }
0xa0: {  	[timem:s10], [sflag:s22] =	dma.local [hbm:s8], s20  }
0xa1: {  	_ =	swait.ge [sflag:s22], s20  }
0xa2: {  	s7 =	ssub.s32 $0x0, s20;
	[sflag:s22] =	ssyncset.done $0x0  }
0xa3: {  	[sflag:s22] =	ssyncadd.s32 s7;
	_ =	sdelay $0x1  }
0xa4: {  	s23 =	simm.s32 $0x1B8B  }
0xa5: {  	_ =	swait.ge [sflag:s23], $0x1  }
0xa6: {  	[sflag:s23] =	ssyncset.done $0x0  }
0xa7: {  	s25 =	simm.s32 $0x1B8E;
	s24 =	sld [smem:$0x3FFE];
	[sflag:s23] =	ssyncadd.s32 $0xFFFFFFFF  }
0xa8: {  	s26 =	simm.s32 $execute0_lowered;
	[smem:$0x3FD2] =	sst s25  }
0xa9: {  	s8 =	sshll.u32 s26, $0x1;
	_ =	strace $0x80000046;
	[dreg:$0x1] =	wrdreg $0xFFFFFFFF  }
0xaa: {  	s28 =	simm.s32 $_size_execute0_lowered;
	s6 =	sadd.s32 s6, s8;
	[dreg:$0x0] =	wrdreg $0x0  }
0xab: {  	s8 =	sshll.u32 s28, $0x1;
	[dreg:$0x2] =	wrdreg s6  }
0xac: {  	[dreg:$0x3] =	wrdreg s8  }
0xad: {  	[dreg:$0x4] =	wrdreg $0xC0  }
0xae: {  	_ =	task [dreg:s10], $0x5FFFF  }
0xaf: {  	[dreg:$0x1] =	wrdreg $0xFFFFFFFF  }
0xb0: {  	[dreg:$0x0] =	wrdreg $0x60  }
0xb1: {  	[dreg:$0x2] =	wrdreg s24  }
0xb2: {  	[dreg:$0x3] =	wrdreg s2  }
0xb3: {  	[dreg:$0x4] =	wrdreg s18  }
0xb4: {  	[dreg:$0x5] =	wrdreg s4  }
0xb5: {  	[dreg:$0x6] =	wrdreg s5  }
0xb6: {  	[dreg:$0x7] =	wrdreg $0x9  }
0xb7: {  	_ =	task.clear_ibuf [dreg:s10], $0x8FFFF;
	_ =	strace $0x90000046  }
0xb8: {  	s29 =	simm.s32 $0x9;
	_ =	strace $0x80000048  }
0xb9: {  	_ =	swait.ge [sflag:s29], $0x1  }
0xba: {  	[sflag:s29] =	ssyncadd.s32 $0xFFFFFFFF  }
0xbb: {  	_ =	strace $0x90000048  }
0xbc: {  	_ =	sfence  }
0xbd: {  	s30 =	sld [smem:$0x0];
	_ =	sdelay $0x2  }
0xbe: {  	s31 =	sshll.u32 s1, $0xD;
	s1 =	sshrl.u32 s1, $0x2  }
0xbf: {  	s3 =	sand.u32 $0x4000, s31;
	s1 =	sadd.s32 s1, s30  }
0xc0: {  	s0 =	sor.u32 s3, s0;
	s1 =	sshll.u32 s1, $0x11  }
0xc1: {  	s0 =	sor.u32 s1, s0  }
0xc2: {  	s0 =	sadd.s32 $0x8F2B, s0  }
0xc3: {  	[sflag:s0] =	ssyncadd.remote.s32 $0x1  }
0xc4: {  	_ =	sfence.sel $0xFFFF  }
0xc5: {  	[dreg:$0x0] =	wrdreg $0xFFFFFFFF;
	(pc) =	sbr.abs _section_cstart, $3  }
0xc6: {  	[dreg:$0x1] =	wrdreg $0xFFFFFFFF  }
0xc7: {  	_ =	task.clear_ibuf [dreg:s10], $0x2FFFF;
	_ =	strace $0x9FFFFFFF  }
0xc8: {  	(tm) =	ssettm $0x7FFFFFFF  }
0xc9: {  	_ =	shalt  }
tec
execute0_lowered:
.L_overlay_start_1:
0x0: {  	(tag) =	ssettag $0x1  }
0x1: {  	s0 =	rddreg [dreg:$0x0]  }
0x2: {  	s1 =	rddreg [dreg:$0x1]  }
0x3: {  	s2 =	rddreg [dreg:$0x2]  }
0x4: {  	s4 =	rddreg [dreg:$0x3];
	s3 =	srdreg.scid  }
0x5: {  	s5 =	stileid.u32;
	s10 =	rddreg [dreg:$0x4];
	s12 =	simm.s32 $0xEB00  }
0x6: {  	s13 =	simm.s32 $0x10A80;
	s14 =	simm.s32 $0x12A00;
	s15 =	simm.s32 $0x14980  }
0x7: {  	s16 =	simm.s32 $0x16900;
	s17 =	simm.s32 $0x18880;
	s18 =	simm.s32 $0x3  }
0x8: {  	s19 =	simm.s32 $0x1;
	s20 =	simm.s32 $0x9C80;
	s21 =	simm.s32 $0x2710  }
0x9: {  	s22 =	simm.s32 $0xC390;
	s23 =	simm.s32 $0x4E20;
	s24 =	simm.s32 $0x7530  }
0xa: {  	s25 =	simm.s32 $0x2;
	s26 =	simm.s32 $0x4;
	s28 =	simm.s32 $0x0  }
0xb: {  	s3 =	sand.u32 $0x1, s3;
	s6 =	sshll.u32 s5, $0x1;
	s5 =	simm.s32 $0x0  }
.Ltmp0:
0xc: {  	s7 =	sadd.s32 $0x3E8, s2;
	s6 =	sor.u32 s3, s6;
	(pc) =	sbr.rel .LBB2_1-.Ltmp0, $4  }
0xd: {  	[smem:$0x7FF] =	sst s5;
	s3 =	ssub.s32 $0x2, s3;
	s11 =	smul.u32 $0x1388, s6  }
0xe: {  	s8 =	sadd.s32 $0x3E8, s4;
	_ =	strace $0x80000047;
	s31 =	sshrl.u32 s3, $0x1  }
0xf: {  	s6 =	sadd.s32 $0x3E8, s1;
	s3 =	ssub.s32 s3, s31;
	s0 =	sadd.s32 s11, s0  }
0x10: {  	s10 =	sadd.s32 s10, s11;
	s11 =	smax.u32 s3, $0x1;
	s9 =	sadd.s32 $0x400, s0  }
.LBB2_10:
0x11: {  	s28 =	sadd.s32 $0x1, s28  }
0x12: {  	p0 =	sne.s32 s28, s11  }
.Ltmp1:
0x13: {  	_ = 	snop;
	(pc) =	sbr.rel @!p0 .LBB2_11-.Ltmp1, $4  }
0x14: {  	[hbm4b:s10+s5] =	stream.linear.scatter [tilespmem:s5], [sflag:$0x4], $0x9C40, $0x38;
	[tilespmem:$0x1A800] =	vst v63  }
0x15: {  	_ =	swait.ge [sflag:s26], $0x9C40  }
0x16: {  	[sflag:s26] =	ssyncset.done $0x0  }
0x17: {  	[sflag:s26] =	ssyncadd.s32 $0xFFFF63C0  }
.LBB2_1:
0x18: {  	[tilespmem:s12], [sflag:$0x1] =	stream.linear.gather [hbm4b:s1+s5], $0x1F40, $0x38;
	[tilespmem:$0x1A800] =	vst v63  }
0x19: {  	_ = 	snop  }
0x1a: {  	[tilespmem:s13], [sflag:$0x1] =	stream.linear.gather [hbm4b:s2+s5], $0x1F40, $0x38;
	[tilespmem:$0x1A800] =	vst v63  }
0x1b: {  	_ = 	snop  }
0x1c: {  	[tilespmem:s14], [sflag:$0x1] =	stream.linear.gather [hbm4b:s4+s5], $0x1F40, $0x38;
	[tilespmem:$0x1A800] =	vst v63  }
0x1d: {  	_ = 	snop  }
0x1e: {  	[tilespmem:s15], [sflag:$0x2] =	stream.linear.gather [hbm4b:s6+s5], $0x1F40, $0x38;
	[tilespmem:$0x1A800] =	vst v63  }
0x1f: {  	_ = 	snop  }
0x20: {  	[tilespmem:s16], [sflag:$0x2] =	stream.linear.gather [hbm4b:s7+s5], $0x1F40, $0x38;
	[tilespmem:$0x1A800] =	vst v63  }
0x21: {  	_ = 	snop  }
0x22: {  	[tilespmem:s17], [sflag:$0x2] =	stream.linear.gather [hbm4b:s8+s5], $0x1F40, $0x38;
	[tilespmem:$0x1A800] =	vst v63  }
0x23: {  	_ = 	snop  }
0x24: {  	[tilespmem:s5], [sflag:$0x3] =	stream.linear.gather [hbm4b:s9+s5], $0x9C40, $0x38;
	[tilespmem:$0x1A800] =	vst v63  }
0x25: {  	_ =	swait.ge [sflag:s18], $0x9C40  }
0x26: {  	[sflag:s18] =	ssyncset.done $0x0  }
0x27: {  	s0 =	simm.s32 $0x0;
	[sflag:s18] =	ssyncadd.s32 $0xFFFF63C0  }
0x28: {  	v0 =	vld [tilespmem:s0+$0x4E90]  }
0x29: {  	v1 =	vld [tilespmem:s0+$0x75A0]  }
0x2a: {  	v2 =	vld [tilespmem:s0+$0x0]  }
0x2b: {  	v3 =	vld [tilespmem:s0+$0x2710]  }
0x2c: {  	v4 =	vld [tilespmem:s0+$0x4E20]  }
0x2d: {  	v5 =	vld [tilespmem:s0+$0x7530]  }
0x2e: {  	v6 =	vld [tilespmem:s0+$0x10]  }
0x2f: {  	v7 =	vld [tilespmem:s0+$0x2720]  }
0x30: {  	v8 =	vld [tilespmem:s0+$0x4E30]  }
0x31: {  	v9 =	vld [tilespmem:s0+$0x7540]  }
0x32: {  	v10 =	vld [tilespmem:s0+$0x20]  }
0x33: {  	v11 =	vld [tilespmem:s0+$0x2730]  }
0x34: {  	v12 =	vld [tilespmem:s0+$0x4E40]  }
0x35: {  	v16 =	vld [tilespmem:s0+$0x4E50]  }
0x36: {  	v17 =	vld [tilespmem:s0+$0x7560]  }
0x37: {  	v13 =	vld [tilespmem:s0+$0x7550]  }
0x38: {  	v14 =	vld [tilespmem:s0+$0x30]  }
0x39: {  	v15 =	vld [tilespmem:s0+$0x2740]  }
0x3a: {  	v62 =	vld [tilespmem:s0+$0x7580];
	v0 =	vpack.i.f32.bf16 v1, v0  }
0x3b: {  	v1 =	vld [tilespmem:s0+$0x40];
	v63 =	vpack.i.f32.bf16 v17, v16;
	[tilespmem:s0+$0xC400] =	vst v0  }
0x3c: {  	v0 =	vpack.i.f32.bf16 v3, v2;
	v2 =	vld [tilespmem:s0+$0x2750];
	[tilespmem:s0+$0xC3C0] =	vst v63  }
0x3d: {  	v3 =	vld [tilespmem:s0+$0x4E60];
	[tilespmem:s0+$0x9C80] =	vst v0;
	v0 =	vpack.i.f32.bf16 v5, v4  }
0x3e: {  	v4 =	vld [tilespmem:s0+$0x7570];
	[tilespmem:s0+$0xC390] =	vst v0;
	v0 =	vpack.i.f32.bf16 v7, v6  }
0x3f: {  	v5 =	vld [tilespmem:s0+$0x50];
	[tilespmem:s0+$0x9C90] =	vst v0;
	v0 =	vpack.i.f32.bf16 v9, v8  }
0x40: {  	v6 =	vld [tilespmem:s0+$0x2760];
	[tilespmem:s0+$0xC3A0] =	vst v0;
	v0 =	vpack.i.f32.bf16 v11, v10  }
0x41: {  	v7 =	vld [tilespmem:s0+$0x4E70];
	[tilespmem:s0+$0x9CA0] =	vst v0;
	v0 =	vpack.i.f32.bf16 v13, v12  }
0x42: {  	v1 =	vpack.i.f32.bf16 v2, v1;
	v2 =	vld [tilespmem:s0+$0x2770];
	[tilespmem:s0+$0xC3B0] =	vst v0;
	v0 =	vpack.i.f32.bf16 v15, v14  }
0x43: {  	[tilespmem:s0+$0x9CB0] =	vst v0;
	v0 =	vld [tilespmem:s0+$0x60]  }
0x44: {  	[tilespmem:s0+$0x9CC0] =	vst v1;
	v3 =	vpack.i.f32.bf16 v4, v3;
	v1 =	vld [tilespmem:s0+$0x4E80]  }
0x45: {  	v4 =	vld [tilespmem:s0+$0x7590];
	[tilespmem:s0+$0xC3D0] =	vst v3;
	v3 =	vpack.i.f32.bf16 v6, v5  }
0x46: {  	s3 =	simm.s32 $0x0;
	s29 =	simm.s32 $0x200;
	v5 =	vpack.i.f32.bf16 v62, v7;
	[tilespmem:s0+$0x9CD0] =	vst v3;
	v3 =	vld [tilespmem:s0+$0x70]  }
.LBB2_2:
0x47: {  	s30 =	sshra.s32 s29, $0x2;
	[tilespmem:s0+$0xC3E0] =	vst v5;
	v5 =	vld [tilespmem:s0+$0x2780]  }
0x48: {  	s3 =	sadd.s32 $0x80, s3;
	v6 =	vld [tilespmem:s30+$0x4E90];
	v0 =	vpack.i.f32.bf16 v2, v0  }
0x49: {  	p0 =	slt.u32 s3, $0x2680;
	v2 =	vld [tilespmem:s30+$0x75A0];
	[tilespmem:s0+$0x9CE0] =	vst v0  }
0x4a: {  	v0 =	vld [tilespmem:s30+$0x0];
	v1 =	vpack.i.f32.bf16 v4, v1  }
0x4b: {  	v4 =	vld [tilespmem:s30+$0x2710];
	[tilespmem:s0+$0xC3F0] =	vst v1  }
0x4c: {  	v1 =	vld [tilespmem:s30+$0x4E20];
	v3 =	vpack.i.f32.bf16 v5, v3  }
0x4d: {  	v5 =	vld [tilespmem:s30+$0x7530];
	[tilespmem:s0+$0x9CF0] =	vst v3;
	s0 =	smov.u32 s30  }
0x4e: {  	v3 =	vld [tilespmem:s0+$0x10];
	v2 =	vpack.i.f32.bf16 v2, v6  }
0x4f: {  	v6 =	vld [tilespmem:s0+$0x2720];
	[tilespmem:s0+$0xC400] =	vst v2  }
0x50: {  	v0 =	vpack.i.f32.bf16 v4, v0;
	v2 =	vld [tilespmem:s0+$0x4E30]  }
0x51: {  	[tilespmem:s0+$0x9C80] =	vst v0;
	v0 =	vld [tilespmem:s0+$0x7540]  }
0x52: {  	v1 =	vpack.i.f32.bf16 v5, v1;
	v4 =	vld [tilespmem:s0+$0x20]  }
0x53: {  	[tilespmem:s0+$0xC390] =	vst v1;
	v1 =	vld [tilespmem:s0+$0x2730]  }
0x54: {  	v3 =	vpack.i.f32.bf16 v6, v3;
	v5 =	vld [tilespmem:s0+$0x4E40]  }
0x55: {  	[tilespmem:s0+$0x9C90] =	vst v3;
	v3 =	vld [tilespmem:s0+$0x7550]  }
0x56: {  	v0 =	vpack.i.f32.bf16 v0, v2;
	v2 =	vld [tilespmem:s0+$0x30]  }
0x57: {  	[tilespmem:s0+$0xC3A0] =	vst v0;
	v0 =	vld [tilespmem:s0+$0x2740]  }
0x58: {  	v1 =	vpack.i.f32.bf16 v1, v4;
	v4 =	vld [tilespmem:s0+$0x4E50]  }
0x59: {  	[tilespmem:s0+$0x9CA0] =	vst v1;
	v1 =	vld [tilespmem:s0+$0x7560]  }
0x5a: {  	v3 =	vpack.i.f32.bf16 v3, v5;
	v5 =	vld [tilespmem:s0+$0x40]  }
0x5b: {  	[tilespmem:s0+$0xC3B0] =	vst v3;
	v3 =	vld [tilespmem:s0+$0x2750]  }
0x5c: {  	v0 =	vpack.i.f32.bf16 v0, v2;
	v2 =	vld [tilespmem:s0+$0x4E60]  }
0x5d: {  	[tilespmem:s0+$0x9CB0] =	vst v0;
	v0 =	vld [tilespmem:s0+$0x7570]  }
0x5e: {  	v1 =	vpack.i.f32.bf16 v1, v4;
	v4 =	vld [tilespmem:s0+$0x50]  }
0x5f: {  	[tilespmem:s0+$0xC3C0] =	vst v1;
	v1 =	vld [tilespmem:s0+$0x2760]  }
0x60: {  	v3 =	vpack.i.f32.bf16 v3, v5;
	v5 =	vld [tilespmem:s0+$0x4E70]  }
0x61: {  	[tilespmem:s0+$0x9CC0] =	vst v3;
	v3 =	vld [tilespmem:s0+$0x7580]  }
.Ltmp2:
0x62: {  	v2 =	vpack.i.f32.bf16 v0, v2;
	v0 =	vld [tilespmem:s0+$0x60];
	(pc) =	sbr.rel @p0 .LBB2_2-.Ltmp2, $4  }
0x63: {  	[tilespmem:s0+$0xC3D0] =	vst v2;
	v2 =	vld [tilespmem:s0+$0x2770]  }
0x64: {  	v4 =	vpack.i.f32.bf16 v1, v4;
	v1 =	vld [tilespmem:s0+$0x4E80]  }
0x65: {  	[tilespmem:s0+$0x9CD0] =	vst v4;
	v4 =	vld [tilespmem:s0+$0x7590]  }
0x66: {  	s29 =	sadd.s32 $0x200, s29;
	v5 =	vpack.i.f32.bf16 v3, v5;
	v3 =	vld [tilespmem:s0+$0x70]  }
0x67: {  	v6 =	vld [tilespmem:s0+$0x2780];
	_ =	sdelay $0x2  }
0x68: {  	[tilespmem:s0+$0xC3E0] =	vst v5;
	v0 =	vpack.i.f32.bf16 v2, v0  }
0x69: {  	[tilespmem:s0+$0x9CE0] =	vst v0;
	v58 =	vpack.i.f32.bf16 v4, v1  }
0x6a: {  	[tilespmem:s0+$0xC3F0] =	vst v58;
	v59 =	vpack.i.f32.bf16 v6, v3  }
0x6b: {  	[tilespmem:s0+$0x9CF0] =	vst v59  }
0x6c: {  	v0 =	vld [tilespmem:$0x2700]  }
0x6d: {  	v60 =	vld [tilespmem:$0x4E10]  }
0x6e: {  	v61 =	vld [tilespmem:$0x7520]  }
0x6f: {  	v62 =	vld [tilespmem:$0x9C30];
	_ =	sdelay $0x3  }
0x70: {  	v0 =	vpack.i.f32.bf16 v60, v0  }
0x71: {  	v63 =	vpack.i.f32.bf16 v62, v61;
	[tilespmem:$0xC380] =	vst v0  }
0x72: {  	s29 =	simm.s32 $0x0;
	[tilespmem:$0xEA90] =	vst v63  }
.LBB2_4:
0x73: {  	_ =	swait.ge [sflag:s19], $0x1F40  }
0x74: {  	[sflag:s19] =	ssyncset.done $0x0  }
0x75: {  	[sflag:s19] =	ssyncadd.s32 $0xFFFFE0C0  }
0x76: {  	_ =	swait.ge [sflag:s19], $0x1F40  }
0x77: {  	[sflag:s19] =	ssyncset.done $0x0  }
0x78: {  	[sflag:s19] =	ssyncadd.s32 $0xFFFFE0C0  }
0x79: {  	_ =	swait.ge [sflag:s19], $0x1F40  }
0x7a: {  	[sflag:s19] =	ssyncset.done $0x0  }
0x7b: {  	s0 =	simm.s32 $0xEB20;
	[sflag:s19] =	ssyncadd.s32 $0xFFFFE0C0  }
0x7c: {  	v0 =	vld [tilespmem:s0+$0x10];
	_ =	sdelay $0x4  }
0x7d: {  	v2 =	vunpack.i.l.s16.s32 v0;
	_ =	sdelay $0x1  }
0x7e: {  	s30 =	simm.s32 $0x10AA0;
	v3 =	vld [tilespmem:s0+$0xFFFFFFE0]  }
0x7f: {  	s31 =	simm.s32 $0x12A20;
	v4 =	vld [tilespmem:s30+$0x10]  }
0x80: {  	v8 =	vld [tilespmem:s31+$0x10]  }
0x81: {  	v6 =	vld.idx.msk [tilespmem:v2+s20+$0x0], $0xffff  }
0x82: {  	v1 =	vld [tilespmem:s0+$0xFFFFFFF0]  }
0x83: {  	v9 =	vld [tilespmem:s0+$0x0];
	v7 =	vunpack.i.l.s16.s32 v3  }
0x84: {  	v15 =	vld [tilespmem:s30+$0xFFFFFFE0];
	v10 =	vunpack.i.l.s16.s32 v4  }
0x85: {  	v16 =	vld [tilespmem:s31+$0xFFFFFFE0]  }
0x86: {  	v17 =	vld [tilespmem:s30+$0xFFFFFFF0];
	v13 =	vunpack.i.l.bf16.f32 v8;
	v14 =	vunpack.i.l.bf16.f32 v6  }
0x87: {  	v18 =	vld [tilespmem:s31+$0xFFFFFFF0];
	v6 =	vunpack.i.u.bf16.f32 v6;
	v14 =	vmul.f32 v14, v13  }
0x88: {  	v5 =	vunpack.i.l.s16.s32 v1;
	v12 =	vld.idx.msk [tilespmem:v7+s20+$0x0], $0xffff;
	v6 =	vmul.f32 v6, v13  }
0x89: {  	[tilespmem:v10+s5+$0x0] =	vst.idx.add.f32.msk $0xffff, v14  }
0x8a: {  	v57 =	vunpack.i.l.s16.s32 v9;
	[tilespmem:v10+s21+$0x0] =	vst.idx.add.f32.msk $0xffff, v6  }
0x8b: {  	v2 =	vld.idx.msk [tilespmem:v2+s22+$0x0], $0xffff  }
0x8c: {  	v21 =	vld [tilespmem:s30+$0x0];
	v6 =	vunpack.i.l.s16.s32 v15  }
0x8d: {  	v11 =	vld.idx.msk [tilespmem:v5+s20+$0x0], $0xffff  }
0x8e: {  	v23 =	vld [tilespmem:s31+$0x0];
	v20 =	vunpack.i.l.bf16.f32 v16;
	v19 =	vunpack.i.l.bf16.f32 v12  }
0x8f: {  	v0 =	vunpack.i.u.s16.s32 v0;
	v22 =	vld.idx.msk [tilespmem:v57+s20+$0x0], $0xffff;
	v12 =	vunpack.i.u.bf16.f32 v12;
	v19 =	vmul.f32 v19, v20  }
0x90: {  	v25 =	vunpack.i.l.s16.s32 v17;
	v12 =	vmul.f32 v12, v20;
	v24 =	vunpack.i.l.bf16.f32 v2  }
0x91: {  	v60 =	vunpack.i.l.bf16.f32 v18;
	[tilespmem:v6+s5+$0x0] =	vst.idx.add.f32.msk $0xffff, v19;
	v2 =	vunpack.i.u.bf16.f32 v2;
	v58 =	vmul.f32 v24, v13  }
0x92: {  	v61 =	vunpack.i.l.s16.s32 v21;
	v59 =	vunpack.i.l.bf16.f32 v11;
	[tilespmem:v6+s21+$0x0] =	vst.idx.add.f32.msk $0xffff, v12;
	v2 =	vmul.f32 v2, v13  }
0x93: {  	v11 =	vunpack.i.u.bf16.f32 v11;
	v12 =	vmul.f32 v59, v60;
	[tilespmem:v10+s23+$0x0] =	vst.idx.add.f32.msk $0xffff, v58  }
0x94: {  	[tilespmem:v10+s24+$0x0] =	vst.idx.add.f32.msk $0xffff, v2;
	v2 =	vunpack.i.l.bf16.f32 v22;
	v10 =	vmul.f32 v11, v60;
	v11 =	vunpack.i.l.bf16.f32 v23  }
0x95: {  	v19 =	vld.idx.msk [tilespmem:v0+s20+$0x0], $0xffff;
	v2 =	vmul.f32 v2, v11  }
0x96: {  	[tilespmem:v25+s5+$0x0] =	vst.idx.add.f32.msk $0xffff, v12  }
0x97: {  	[tilespmem:v61+s5+$0x0] =	vst.idx.add.f32.msk $0xffff, v2  }
0x98: {  	v62 =	vunpack.i.u.bf16.f32 v22;
	v2 =	vunpack.i.u.s16.s32 v4;
	v4 =	vld.idx.msk [tilespmem:v7+s22+$0x0], $0xffff  }
0x99: {  	[tilespmem:v25+s21+$0x0] =	vst.idx.add.f32.msk $0xffff, v10;
	v10 =	vmul.f32 v62, v11  }
0x9a: {  	v8 =	vunpack.i.u.bf16.f32 v8;
	v5 =	vld.idx.msk [tilespmem:v5+s22+$0x0], $0xffff;
	v7 =	vunpack.i.l.bf16.f32 v19  }
0x9b: {  	[tilespmem:v61+s21+$0x0] =	vst.idx.add.f32.msk $0xffff, v10;
	v10 =	vunpack.i.u.bf16.f32 v19;
	v7 =	vmul.f32 v7, v8  }
0x9c: {  	v63 =	vld.idx.msk [tilespmem:v57+s22+$0x0], $0xffff;
	v10 =	vmul.f32 v10, v8  }
0x9d: {  	[tilespmem:v2+s5+$0x0] =	vst.idx.add.f32.msk $0xffff, v7;
	v7 =	vunpack.i.l.bf16.f32 v4  }
0x9e: {  	v4 =	vunpack.i.u.bf16.f32 v4;
	[tilespmem:v2+s21+$0x0] =	vst.idx.add.f32.msk $0xffff, v10;
	v7 =	vmul.f32 v7, v20  }
0x9f: {  	v10 =	vunpack.i.l.bf16.f32 v5;
	v4 =	vmul.f32 v4, v20;
	v0 =	vld.idx.msk [tilespmem:v0+s22+$0x0], $0xffff  }
0xa0: {  	v5 =	vunpack.i.u.bf16.f32 v5;
	[tilespmem:v6+s23+$0x0] =	vst.idx.add.f32.msk $0xffff, v7;
	v7 =	vmul.f32 v10, v60  }
0xa1: {  	v5 =	vmul.f32 v5, v60;
	[tilespmem:v6+s24+$0x0] =	vst.idx.add.f32.msk $0xffff, v4  }
0xa2: {  	v10 =	vunpack.i.l.bf16.f32 v63;
	v4 =	vunpack.i.u.s16.s32 v3;
	[tilespmem:v25+s23+$0x0] =	vst.idx.add.f32.msk $0xffff, v7  }
0xa3: {  	v6 =	vunpack.i.u.bf16.f32 v63;
	v10 =	vmul.f32 v10, v11;
	[tilespmem:v25+s24+$0x0] =	vst.idx.add.f32.msk $0xffff, v5;
	v5 =	vunpack.i.u.s16.s32 v1  }
0xa4: {  	v3 =	vmul.f32 v6, v11;
	v7 =	vunpack.i.u.s16.s32 v9  }
0xa5: {  	[tilespmem:v61+s23+$0x0] =	vst.idx.add.f32.msk $0xffff, v10  }
0xa6: {  	[tilespmem:v61+s24+$0x0] =	vst.idx.add.f32.msk $0xffff, v3  }
0xa7: {  	v6 =	vunpack.i.l.bf16.f32 v0;
	v11 =	vld.idx.msk [tilespmem:v4+s20+$0x0], $0xffff  }
0xa8: {  	v0 =	vunpack.i.u.bf16.f32 v0;
	v1 =	vmul.f32 v6, v8;
	v10 =	vld.idx.msk [tilespmem:v5+s20+$0x0], $0xffff  }
0xa9: {  	v0 =	vmul.f32 v0, v8;
	v9 =	vld.idx.msk [tilespmem:v7+s20+$0x0], $0xffff  }
0xaa: {  	v3 =	vunpack.i.u.bf16.f32 v18;
	v8 =	vunpack.i.u.bf16.f32 v16;
	v6 =	vunpack.i.u.s16.s32 v15;
	[tilespmem:v2+s23+$0x0] =	vst.idx.add.f32.msk $0xffff, v1  }
0xab: {  	s3 =	simm.s32 $0x0;
	s0 =	simm.s32 $0xEB60;
	v1 =	vunpack.i.u.s16.s32 v21;
	[tilespmem:v2+s24+$0x0] =	vst.idx.add.f32.msk $0xffff, v0;
	v0 =	vunpack.i.u.bf16.f32 v23;
	v2 =	vunpack.i.u.s16.s32 v17  }
.LBB2_5:
0xac: {  	v12 =	vld [tilespmem:s0+$0x10];
	v13 =	vunpack.i.u.bf16.f32 v11;
	v11 =	vunpack.i.l.bf16.f32 v11  }
0xad: {  	v15 =	vunpack.i.u.bf16.f32 v10;
	v10 =	vunpack.i.l.bf16.f32 v10;
	v14 =	vld [tilespmem:s0+$0xFFFFFFF0];
	v11 =	vmul.f32 v11, v8  }
0xae: {  	v13 =	vmul.f32 v13, v8;
	v17 =	vunpack.i.u.bf16.f32 v9;
	v9 =	vunpack.i.l.bf16.f32 v9;
	v16 =	vld [tilespmem:s0+$0x0]  }
0xaf: {  	v10 =	vmul.f32 v10, v3;
	v15 =	vmul.f32 v15, v3;
	v18 =	vld [tilespmem:s0+$0xFFFFFFE0]  }
0xb0: {  	s3 =	sadd.s32 $0x40, s3;
	v9 =	vmul.f32 v9, v0;
	[tilespmem:v6+s5+$0x0] =	vst.idx.add.f32.msk $0xffff, v11;
	v11 =	vmul.f32 v17, v0  }
0xb1: {  	p0 =	slt.u32 s3, $0x1F00;
	v17 =	vunpack.i.l.s16.s32 v12;
	[tilespmem:v6+s21+$0x0] =	vst.idx.add.f32.msk $0xffff, v13  }
0xb2: {  	v13 =	vunpack.i.u.s16.s32 v14;
	v14 =	vunpack.i.l.s16.s32 v14;
	[tilespmem:v2+s5+$0x0] =	vst.idx.add.f32.msk $0xffff, v10  }
0xb3: {  	v10 =	vunpack.i.u.s16.s32 v16;
	v16 =	vunpack.i.l.s16.s32 v16;
	[tilespmem:v2+s21+$0x0] =	vst.idx.add.f32.msk $0xffff, v15  }
0xb4: {  	s30 =	sadd.s32 $0x40, s30;
	v15 =	vunpack.i.u.s16.s32 v18;
	v18 =	vunpack.i.l.s16.s32 v18;
	[tilespmem:v1+s5+$0x0] =	vst.idx.add.f32.msk $0xffff, v9  }
0xb5: {  	v9 =	vld [tilespmem:s30+$0x10]  }
0xb6: {  	s31 =	sadd.s32 $0x40, s31;
	v19 =	vld.idx.msk [tilespmem:v17+s20+$0x0], $0xffff  }
0xb7: {  	v20 =	vld [tilespmem:s31+$0x10]  }
0xb8: {  	v21 =	vld.idx.msk [tilespmem:v14+s20+$0x0], $0xffff  }
0xb9: {  	v22 =	vld.idx.msk [tilespmem:v18+s20+$0x0], $0xffff  }
0xba: {  	v23 =	vld.idx.msk [tilespmem:v16+s20+$0x0], $0xffff;
	v24 =	vunpack.i.l.s16.s32 v9  }
0xbb: {  	v25 =	vld [tilespmem:s31+$0xFFFFFFE0]  }
0xbc: {  	v28 =	vunpack.i.l.bf16.f32 v19;
	v26 =	vld [tilespmem:s31+$0xFFFFFFF0];
	v27 =	vunpack.i.l.bf16.f32 v20  }
0xbd: {  	v19 =	vunpack.i.u.bf16.f32 v19;
	v29 =	vld [tilespmem:s31+$0x0];
	v28 =	vmul.f32 v28, v27  }
0xbe: {  	v31 =	vunpack.i.u.bf16.f32 v21;
	v21 =	vunpack.i.l.bf16.f32 v21;
	v19 =	vmul.f32 v19, v27;
	v30 =	vld [tilespmem:s30+$0xFFFFFFE0]  }
0xbf: {  	v32 =	vunpack.i.u.bf16.f32 v22;
	v22 =	vunpack.i.l.bf16.f32 v22;
	[tilespmem:v24+s5+$0x0] =	vst.idx.add.f32.msk $0xffff, v28  }
0xc0: {  	v33 =	vunpack.i.u.bf16.f32 v23;
	v23 =	vunpack.i.l.bf16.f32 v23;
	v28 =	vunpack.i.l.bf16.f32 v25;
	[tilespmem:v24+s21+$0x0] =	vst.idx.add.f32.msk $0xffff, v19  }
0xc1: {  	v19 =	vmul.f32 v22, v28;
	v22 =	vmul.f32 v32, v28;
	v32 =	vunpack.i.l.bf16.f32 v26;
	v17 =	vld.idx.msk [tilespmem:v17+s22+$0x0], $0xffff  }
0xc2: {  	v34 =	vld [tilespmem:s30+$0xFFFFFFF0];
	v21 =	vmul.f32 v21, v32;
	v31 =	vmul.f32 v31, v32;
	v35 =	vunpack.i.l.bf16.f32 v29  }
0xc3: {  	v36 =	vunpack.i.l.s16.s32 v30;
	v37 =	vld [tilespmem:s30+$0x0];
	v23 =	vmul.f32 v23, v35;
	v33 =	vmul.f32 v33, v35  }
0xc4: {  	v25 =	vunpack.i.u.bf16.f32 v25;
	v26 =	vunpack.i.u.bf16.f32 v26;
	v29 =	vunpack.i.u.bf16.f32 v29;
	[tilespmem:v1+s21+$0x0] =	vst.idx.add.f32.msk $0xffff, v11  }
0xc5: {  	v11 =	vunpack.i.u.s16.s32 v30;
	v30 =	vld.idx.msk [tilespmem:v4+s22+$0x0], $0xffff;
	v4 =	vmov v15  }
0xc6: {  	v15 =	vld.idx.msk [tilespmem:v5+s22+$0x0], $0xffff;
	v5 =	vmov v13  }
0xc7: {  	v12 =	vunpack.i.u.s16.s32 v12;
	v38 =	vunpack.i.l.bf16.f32 v17;
	v13 =	vunpack.i.l.s16.s32 v34;
	v39 =	vld.idx.msk [tilespmem:v7+s22+$0x0], $0xffff;
	v7 =	vmovc v10  }
0xc8: {  	v17 =	vunpack.i.u.bf16.f32 v17;
	[tilespmem:v36+s5+$0x0] =	vst.idx.add.f32.msk $0xffff, v19;
	v10 =	vunpack.i.l.s16.s32 v37;
	v19 =	vmul.f32 v38, v27  }
0xc9: {  	v17 =	vmul.f32 v17, v27;
	[tilespmem:v36+s21+$0x0] =	vst.idx.add.f32.msk $0xffff, v22;
	v22 =	vunpack.i.u.s16.s32 v34;
	v34 =	vunpack.i.u.s16.s32 v37  }
0xca: {  	[tilespmem:v24+s23+$0x0] =	vst.idx.add.f32.msk $0xffff, v19  }
0xcb: {  	v19 =	vunpack.i.l.bf16.f32 v30;
	[tilespmem:v24+s24+$0x0] =	vst.idx.add.f32.msk $0xffff, v17;
	v17 =	vunpack.i.u.bf16.f32 v30  }
0xcc: {  	v19 =	vmul.f32 v19, v8;
	v27 =	vunpack.i.u.bf16.f32 v15;
	v15 =	vunpack.i.l.bf16.f32 v15;
	v24 =	vld.idx.msk [tilespmem:v12+s20+$0x0], $0xffff  }
0xcd: {  	v17 =	vmul.f32 v17, v8;
	v30 =	vunpack.i.l.bf16.f32 v39;
	v8 =	vmovc v25;
	[tilespmem:v13+s5+$0x0] =	vst.idx.add.f32.msk $0xffff, v21;
	v21 =	vunpack.i.u.bf16.f32 v39  }
0xce: {  	v15 =	vmul.f32 v15, v3;
	v25 =	vmul.f32 v27, v3;
	v3 =	vmov v26;
	[tilespmem:v13+s21+$0x0] =	vst.idx.add.f32.msk $0xffff, v31  }
0xcf: {  	v21 =	vmul.f32 v21, v0;
	[tilespmem:v10+s5+$0x0] =	vst.idx.add.f32.msk $0xffff, v23;
	v23 =	vmul.f32 v30, v0;
	v0 =	vmov v29  }
0xd0: {  	v9 =	vunpack.i.u.s16.s32 v9;
	[tilespmem:v10+s21+$0x0] =	vst.idx.add.f32.msk $0xffff, v33  }
0xd1: {  	v18 =	vld.idx.msk [tilespmem:v18+s22+$0x0], $0xffff  }
0xd2: {  	v20 =	vunpack.i.u.bf16.f32 v20;
	v26 =	vunpack.i.l.bf16.f32 v24;
	v14 =	vld.idx.msk [tilespmem:v14+s22+$0x0], $0xffff  }
0xd3: {  	v24 =	vunpack.i.u.bf16.f32 v24;
	v26 =	vmul.f32 v26, v20;
	v16 =	vld.idx.msk [tilespmem:v16+s22+$0x0], $0xffff  }
0xd4: {  	v24 =	vmul.f32 v24, v20;
	[tilespmem:v6+s23+$0x0] =	vst.idx.add.f32.msk $0xffff, v19  }
0xd5: {  	[tilespmem:v9+s5+$0x0] =	vst.idx.add.f32.msk $0xffff, v26  }
0xd6: {  	[tilespmem:v9+s21+$0x0] =	vst.idx.add.f32.msk $0xffff, v24  }
0xd7: {  	v19 =	vunpack.i.u.bf16.f32 v18;
	v18 =	vunpack.i.l.bf16.f32 v18;
	v12 =	vld.idx.msk [tilespmem:v12+s22+$0x0], $0xffff  }
0xd8: {  	v18 =	vmul.f32 v18, v28;
	v24 =	vunpack.i.u.bf16.f32 v14;
	v14 =	vunpack.i.l.bf16.f32 v14;
	[tilespmem:v6+s24+$0x0] =	vst.idx.add.f32.msk $0xffff, v17;
	v6 =	vmovc v11  }
0xd9: {  	v11 =	vmul.f32 v19, v28;
	v17 =	vunpack.i.u.bf16.f32 v16;
	v16 =	vunpack.i.l.bf16.f32 v16;
	[tilespmem:v2+s23+$0x0] =	vst.idx.add.f32.msk $0xffff, v15  }
0xda: {  	v14 =	vmul.f32 v14, v32;
	v15 =	vmul.f32 v24, v32;
	[tilespmem:v36+s23+$0x0] =	vst.idx.add.f32.msk $0xffff, v18  }
0xdb: {  	[tilespmem:v36+s24+$0x0] =	vst.idx.add.f32.msk $0xffff, v11;
	v11 =	vmul.f32 v16, v35;
	v16 =	vmul.f32 v17, v35  }
0xdc: {  	[tilespmem:v13+s23+$0x0] =	vst.idx.add.f32.msk $0xffff, v14  }
0xdd: {  	[tilespmem:v13+s24+$0x0] =	vst.idx.add.f32.msk $0xffff, v15;
	v13 =	vunpack.i.l.bf16.f32 v12  }
0xde: {  	[tilespmem:v10+s23+$0x0] =	vst.idx.add.f32.msk $0xffff, v11;
	v11 =	vunpack.i.u.bf16.f32 v12;
	v12 =	vmul.f32 v13, v20  }
0xdf: {  	[tilespmem:v10+s24+$0x0] =	vst.idx.add.f32.msk $0xffff, v16;
	v10 =	vmul.f32 v11, v20  }
0xe0: {  	[tilespmem:v9+s23+$0x0] =	vst.idx.add.f32.msk $0xffff, v12  }
0xe1: {  	[tilespmem:v9+s24+$0x0] =	vst.idx.add.f32.msk $0xffff, v10  }
0xe2: {  	v11 =	vld.idx.msk [tilespmem:v4+s20+$0x0], $0xffff  }
.Ltmp3:
0xe3: {  	v10 =	vld.idx.msk [tilespmem:v5+s20+$0x0], $0xffff;
	(pc) =	sbr.rel @p0 .LBB2_5-.Ltmp3, $4  }
0xe4: {  	v9 =	vld.idx.msk [tilespmem:v7+s20+$0x0], $0xffff  }
0xe5: {  	[tilespmem:v2+s24+$0x0] =	vst.idx.add.f32.msk $0xffff, v25;
	v2 =	vmov v22  }
0xe6: {  	[tilespmem:v1+s23+$0x0] =	vst.idx.add.f32.msk $0xffff, v23  }
0xe7: {  	s0 =	sadd.s32 $0x40, s0;
	[tilespmem:v1+s24+$0x0] =	vst.idx.add.f32.msk $0xffff, v21;
	v1 =	vmov v34  }
0xe8: {  	_ = 	snop  }
0xe9: {  	v12 =	vunpack.i.l.bf16.f32 v11  }
0xea: {  	v13 =	vunpack.i.l.bf16.f32 v10;
	v12 =	vmul.f32 v12, v8  }
0xeb: {  	v11 =	vunpack.i.u.bf16.f32 v11;
	v13 =	vmul.f32 v13, v3  }
0xec: {  	v10 =	vunpack.i.u.bf16.f32 v10;
	v11 =	vmul.f32 v11, v8;
	[tilespmem:v6+s5+$0x0] =	vst.idx.add.f32.msk $0xffff, v12  }
0xed: {  	v10 =	vmul.f32 v10, v3;
	[tilespmem:v2+s5+$0x0] =	vst.idx.add.f32.msk $0xffff, v13  }
0xee: {  	[tilespmem:v6+s21+$0x0] =	vst.idx.add.f32.msk $0xffff, v11  }
0xef: {  	v11 =	vunpack.i.l.bf16.f32 v9;
	[tilespmem:v2+s21+$0x0] =	vst.idx.add.f32.msk $0xffff, v10  }
0xf0: {  	v9 =	vunpack.i.u.bf16.f32 v9;
	v11 =	vmul.f32 v11, v0;
	v4 =	vld.idx.msk [tilespmem:v4+s22+$0x0], $0xffff  }
0xf1: {  	v9 =	vmul.f32 v9, v0;
	v5 =	vld.idx.msk [tilespmem:v5+s22+$0x0], $0xffff  }
0xf2: {  	[tilespmem:v1+s5+$0x0] =	vst.idx.add.f32.msk $0xffff, v11  }
0xf3: {  	[tilespmem:v1+s21+$0x0] =	vst.idx.add.f32.msk $0xffff, v9  }
0xf4: {  	v7 =	vld.idx.msk [tilespmem:v7+s22+$0x0], $0xffff  }
0xf5: {  	v9 =	vunpack.i.l.bf16.f32 v4  }
0xf6: {  	v4 =	vunpack.i.u.bf16.f32 v4;
	v10 =	vunpack.i.l.bf16.f32 v5;
	v9 =	vmul.f32 v9, v8  }
0xf7: {  	v4 =	vmul.f32 v4, v8;
	v8 =	vmul.f32 v10, v3  }
0xf8: {  	p0 =	seq.s32 s29, $0x9;
	v5 =	vunpack.i.u.bf16.f32 v5;
	[tilespmem:v6+s23+$0x0] =	vst.idx.add.f32.msk $0xffff, v9  }
0xf9: {  	s0 =	smul.u32 @!p0 $0x3E80, s29;
	v3 =	vmul.f32 v5, v3;
	[tilespmem:v2+s23+$0x0] =	vst.idx.add.f32.msk $0xffff, v8;
	v9 =	vunpack.i.l.bf16.f32 v7  }
0xfa: {  	[tilespmem:v6+s24+$0x0] =	vst.idx.add.f32.msk $0xffff, v4;
	v4 =	vunpack.i.u.bf16.f32 v7;
	v5 =	vmul.f32 v9, v0  }
0xfb: {  	s0 =	sshrl.u32 @!p0 s0, $0x3;
	[tilespmem:v2+s24+$0x0] =	vst.idx.add.f32.msk $0xffff, v3;
	v0 =	vmul.f32 v4, v0  }
0xfc: {  	s0 =	sadd.s32 @!p0 $0x7D0, s0;
	[tilespmem:v1+s23+$0x0] =	vst.idx.add.f32.msk $0xffff, v5  }
0xfd: {  	s30 =	simm.s32 @!p0 $0x0;
	s31 =	simm.s32 @!p0 $0xEB00;
	s3 =	sadd.s32 @!p0 s1, s0;
	[tilespmem:v1+s24+$0x0] =	vst.idx.add.f32.msk $0xffff, v0  }
0xfe: {  	[tilespmem:s31], [sflag:$0x1] =	stream.linear.gather @!p0 [hbm4b:s3+s30], $0x1F40, $0x38;
	[tilespmem:$0x1A800] =	vst v63  }
0xff: {  	s3 =	sadd.s32 @!p0 s2, s0;
	s31 =	simm.s32 @!p0 $0x10A80  }
0x100: {  	[tilespmem:s31], [sflag:$0x1] =	stream.linear.gather @!p0 [hbm4b:s3+s30], $0x1F40, $0x38;
	[tilespmem:$0x1A800] =	vst v63  }
0x101: {  	s0 =	sadd.s32 @!p0 s4, s0;
	s3 =	simm.s32 @!p0 $0x12A00  }
0x102: {  	[tilespmem:s3], [sflag:$0x1] =	stream.linear.gather @!p0 [hbm4b:s0+s30], $0x1F40, $0x38;
	[tilespmem:$0x1A800] =	vst v63  }
0x103: {  	_ =	swait.ge [sflag:s25], $0x1F40  }
0x104: {  	[sflag:s25] =	ssyncset.done $0x0  }
0x105: {  	[sflag:s25] =	ssyncadd.s32 $0xFFFFE0C0  }
0x106: {  	_ =	swait.ge [sflag:s25], $0x1F40  }
0x107: {  	[sflag:s25] =	ssyncset.done $0x0  }
0x108: {  	[sflag:s25] =	ssyncadd.s32 $0xFFFFE0C0  }
0x109: {  	_ =	swait.ge [sflag:s25], $0x1F40  }
0x10a: {  	[sflag:s25] =	ssyncset.done $0x0  }
0x10b: {  	s3 =	simm.s32 $0x149A0;
	[sflag:s25] =	ssyncadd.s32 $0xFFFFE0C0  }
0x10c: {  	v0 =	vld [tilespmem:s3+$0x10];
	_ =	sdelay $0x4  }
0x10d: {  	v2 =	vunpack.i.l.s16.s32 v0;
	_ =	sdelay $0x1  }
0x10e: {  	s30 =	simm.s32 $0x16920;
	v3 =	vld [tilespmem:s3+$0xFFFFFFE0]  }
0x10f: {  	s31 =	simm.s32 $0x188A0;
	v4 =	vld [tilespmem:s30+$0x10]  }
0x110: {  	v8 =	vld [tilespmem:s31+$0x10]  }
0x111: {  	v6 =	vld.idx.msk [tilespmem:v2+s20+$0x0], $0xffff  }
0x112: {  	v1 =	vld [tilespmem:s3+$0xFFFFFFF0]  }
0x113: {  	v9 =	vld [tilespmem:s3+$0x0];
	v7 =	vunpack.i.l.s16.s32 v3  }
0x114: {  	v15 =	vld [tilespmem:s30+$0xFFFFFFE0];
	v10 =	vunpack.i.l.s16.s32 v4  }
0x115: {  	v16 =	vld [tilespmem:s31+$0xFFFFFFE0]  }
0x116: {  	v17 =	vld [tilespmem:s30+$0xFFFFFFF0];
	v56 =	vunpack.i.l.bf16.f32 v8;
	v14 =	vunpack.i.l.bf16.f32 v6  }
0x117: {  	v18 =	vld [tilespmem:s31+$0xFFFFFFF0];
	v6 =	vunpack.i.u.bf16.f32 v6;
	v14 =	vmul.f32 v14, v56  }
0x118: {  	v5 =	vunpack.i.l.s16.s32 v1;
	v55 =	vld.idx.msk [tilespmem:v7+s20+$0x0], $0xffff;
	v6 =	vmul.f32 v6, v56  }
0x119: {  	[tilespmem:v10+s5+$0x0] =	vst.idx.add.f32.msk $0xffff, v14  }
0x11a: {  	v57 =	vunpack.i.l.s16.s32 v9;
	[tilespmem:v10+s21+$0x0] =	vst.idx.add.f32.msk $0xffff, v6  }
0x11b: {  	v2 =	vld.idx.msk [tilespmem:v2+s22+$0x0], $0xffff  }
0x11c: {  	v21 =	vld [tilespmem:s30+$0x0];
	v6 =	vunpack.i.l.s16.s32 v15  }
0x11d: {  	v11 =	vld.idx.msk [tilespmem:v5+s20+$0x0], $0xffff  }
0x11e: {  	v23 =	vld [tilespmem:s31+$0x0];
	v20 =	vunpack.i.l.bf16.f32 v16;
	v19 =	vunpack.i.l.bf16.f32 v55  }
0x11f: {  	v0 =	vunpack.i.u.s16.s32 v0;
	v22 =	vld.idx.msk [tilespmem:v57+s20+$0x0], $0xffff;
	v12 =	vunpack.i.u.bf16.f32 v55;
	v19 =	vmul.f32 v19, v20  }
0x120: {  	v25 =	vunpack.i.l.s16.s32 v17;
	v12 =	vmul.f32 v12, v20;
	v24 =	vunpack.i.l.bf16.f32 v2  }
0x121: {  	v60 =	vunpack.i.l.bf16.f32 v18;
	[tilespmem:v6+s5+$0x0] =	vst.idx.add.f32.msk $0xffff, v19;
	v2 =	vunpack.i.u.bf16.f32 v2;
	v58 =	vmul.f32 v24, v56  }
0x122: {  	v61 =	vunpack.i.l.s16.s32 v21;
	v59 =	vunpack.i.l.bf16.f32 v11;
	[tilespmem:v6+s21+$0x0] =	vst.idx.add.f32.msk $0xffff, v12;
	v2 =	vmul.f32 v2, v56  }
0x123: {  	v11 =	vunpack.i.u.bf16.f32 v11;
	v12 =	vmul.f32 v59, v60;
	[tilespmem:v10+s23+$0x0] =	vst.idx.add.f32.msk $0xffff, v58  }
0x124: {  	[tilespmem:v10+s24+$0x0] =	vst.idx.add.f32.msk $0xffff, v2;
	v2 =	vunpack.i.l.bf16.f32 v22;
	v10 =	vmul.f32 v11, v60;
	v11 =	vunpack.i.l.bf16.f32 v23  }
0x125: {  	v19 =	vld.idx.msk [tilespmem:v0+s20+$0x0], $0xffff;
	v2 =	vmul.f32 v2, v11  }
0x126: {  	[tilespmem:v25+s5+$0x0] =	vst.idx.add.f32.msk $0xffff, v12  }
0x127: {  	[tilespmem:v61+s5+$0x0] =	vst.idx.add.f32.msk $0xffff, v2  }
0x128: {  	v62 =	vunpack.i.u.bf16.f32 v22;
	v2 =	vunpack.i.u.s16.s32 v4;
	v4 =	vld.idx.msk [tilespmem:v7+s22+$0x0], $0xffff  }
0x129: {  	[tilespmem:v25+s21+$0x0] =	vst.idx.add.f32.msk $0xffff, v10;
	v10 =	vmul.f32 v62, v11  }
0x12a: {  	v8 =	vunpack.i.u.bf16.f32 v8;
	v5 =	vld.idx.msk [tilespmem:v5+s22+$0x0], $0xffff;
	v7 =	vunpack.i.l.bf16.f32 v19  }
0x12b: {  	[tilespmem:v61+s21+$0x0] =	vst.idx.add.f32.msk $0xffff, v10;
	v10 =	vunpack.i.u.bf16.f32 v19;
	v7 =	vmul.f32 v7, v8  }
0x12c: {  	v63 =	vld.idx.msk [tilespmem:v57+s22+$0x0], $0xffff;
	v10 =	vmul.f32 v10, v8  }
0x12d: {  	[tilespmem:v2+s5+$0x0] =	vst.idx.add.f32.msk $0xffff, v7;
	v7 =	vunpack.i.l.bf16.f32 v4  }
0x12e: {  	v4 =	vunpack.i.u.bf16.f32 v4;
	[tilespmem:v2+s21+$0x0] =	vst.idx.add.f32.msk $0xffff, v10;
	v7 =	vmul.f32 v7, v20  }
0x12f: {  	v10 =	vunpack.i.l.bf16.f32 v5;
	v4 =	vmul.f32 v4, v20;
	v0 =	vld.idx.msk [tilespmem:v0+s22+$0x0], $0xffff  }
0x130: {  	v5 =	vunpack.i.u.bf16.f32 v5;
	[tilespmem:v6+s23+$0x0] =	vst.idx.add.f32.msk $0xffff, v7;
	v7 =	vmul.f32 v10, v60  }
0x131: {  	v5 =	vmul.f32 v5, v60;
	[tilespmem:v6+s24+$0x0] =	vst.idx.add.f32.msk $0xffff, v4  }
0x132: {  	v10 =	vunpack.i.l.bf16.f32 v63;
	v4 =	vunpack.i.u.s16.s32 v3;
	[tilespmem:v25+s23+$0x0] =	vst.idx.add.f32.msk $0xffff, v7  }
0x133: {  	v6 =	vunpack.i.u.bf16.f32 v63;
	v10 =	vmul.f32 v10, v11;
	[tilespmem:v25+s24+$0x0] =	vst.idx.add.f32.msk $0xffff, v5;
	v5 =	vunpack.i.u.s16.s32 v1  }
0x134: {  	v3 =	vmul.f32 v6, v11;
	v7 =	vunpack.i.u.s16.s32 v9  }
0x135: {  	[tilespmem:v61+s23+$0x0] =	vst.idx.add.f32.msk $0xffff, v10  }
0x136: {  	[tilespmem:v61+s24+$0x0] =	vst.idx.add.f32.msk $0xffff, v3  }
0x137: {  	v6 =	vunpack.i.l.bf16.f32 v0;
	v11 =	vld.idx.msk [tilespmem:v4+s20+$0x0], $0xffff  }
0x138: {  	v0 =	vunpack.i.u.bf16.f32 v0;
	v1 =	vmul.f32 v6, v8;
	v10 =	vld.idx.msk [tilespmem:v5+s20+$0x0], $0xffff  }
0x139: {  	v0 =	vmul.f32 v0, v8;
	v9 =	vld.idx.msk [tilespmem:v7+s20+$0x0], $0xffff  }
0x13a: {  	v3 =	vunpack.i.u.bf16.f32 v18;
	v8 =	vunpack.i.u.bf16.f32 v16;
	v6 =	vunpack.i.u.s16.s32 v15;
	[tilespmem:v2+s23+$0x0] =	vst.idx.add.f32.msk $0xffff, v1  }
0x13b: {  	s0 =	simm.s32 $0x149E0;
	s3 =	simm.s32 $0x0;
	v1 =	vunpack.i.u.s16.s32 v21;
	[tilespmem:v2+s24+$0x0] =	vst.idx.add.f32.msk $0xffff, v0;
	v0 =	vunpack.i.u.bf16.f32 v23;
	v2 =	vunpack.i.u.s16.s32 v17  }
.LBB2_7:
0x13c: {  	v12 =	vld [tilespmem:s0+$0x10];
	v13 =	vunpack.i.u.bf16.f32 v11;
	v11 =	vunpack.i.l.bf16.f32 v11  }
0x13d: {  	v15 =	vunpack.i.u.bf16.f32 v10;
	v10 =	vunpack.i.l.bf16.f32 v10;
	v14 =	vld [tilespmem:s0+$0xFFFFFFF0];
	v11 =	vmul.f32 v11, v8  }
0x13e: {  	v13 =	vmul.f32 v13, v8;
	v17 =	vunpack.i.u.bf16.f32 v9;
	v9 =	vunpack.i.l.bf16.f32 v9;
	v16 =	vld [tilespmem:s0+$0x0]  }
0x13f: {  	v10 =	vmul.f32 v10, v3;
	v15 =	vmul.f32 v15, v3;
	v18 =	vld [tilespmem:s0+$0xFFFFFFE0]  }
0x140: {  	s3 =	sadd.s32 $0x40, s3;
	v9 =	vmul.f32 v9, v0;
	[tilespmem:v6+s5+$0x0] =	vst.idx.add.f32.msk $0xffff, v11;
	v11 =	vmul.f32 v17, v0  }
0x141: {  	p1 =	slt.u32 s3, $0x1F00;
	v17 =	vunpack.i.l.s16.s32 v12;
	[tilespmem:v6+s21+$0x0] =	vst.idx.add.f32.msk $0xffff, v13  }
0x142: {  	v13 =	vunpack.i.u.s16.s32 v14;
	v14 =	vunpack.i.l.s16.s32 v14;
	[tilespmem:v2+s5+$0x0] =	vst.idx.add.f32.msk $0xffff, v10  }
0x143: {  	v10 =	vunpack.i.u.s16.s32 v16;
	v16 =	vunpack.i.l.s16.s32 v16;
	[tilespmem:v2+s21+$0x0] =	vst.idx.add.f32.msk $0xffff, v15  }
0x144: {  	s30 =	sadd.s32 $0x40, s30;
	v15 =	vunpack.i.u.s16.s32 v18;
	v18 =	vunpack.i.l.s16.s32 v18;
	[tilespmem:v1+s5+$0x0] =	vst.idx.add.f32.msk $0xffff, v9  }
0x145: {  	v9 =	vld [tilespmem:s30+$0x10]  }
0x146: {  	s31 =	sadd.s32 $0x40, s31;
	v19 =	vld.idx.msk [tilespmem:v17+s20+$0x0], $0xffff  }
0x147: {  	v20 =	vld [tilespmem:s31+$0x10]  }
0x148: {  	v21 =	vld.idx.msk [tilespmem:v14+s20+$0x0], $0xffff  }
0x149: {  	v22 =	vld.idx.msk [tilespmem:v18+s20+$0x0], $0xffff  }
0x14a: {  	v23 =	vld.idx.msk [tilespmem:v16+s20+$0x0], $0xffff;
	v24 =	vunpack.i.l.s16.s32 v9  }
0x14b: {  	v25 =	vld [tilespmem:s31+$0xFFFFFFE0]  }
0x14c: {  	v28 =	vunpack.i.l.bf16.f32 v19;
	v26 =	vld [tilespmem:s31+$0xFFFFFFF0];
	v27 =	vunpack.i.l.bf16.f32 v20  }
0x14d: {  	v19 =	vunpack.i.u.bf16.f32 v19;
	v29 =	vld [tilespmem:s31+$0x0];
	v28 =	vmul.f32 v28, v27  }
0x14e: {  	v31 =	vunpack.i.u.bf16.f32 v21;
	v21 =	vunpack.i.l.bf16.f32 v21;
	v19 =	vmul.f32 v19, v27;
	v30 =	vld [tilespmem:s30+$0xFFFFFFE0]  }
0x14f: {  	v32 =	vunpack.i.u.bf16.f32 v22;
	v22 =	vunpack.i.l.bf16.f32 v22;
	[tilespmem:v24+s5+$0x0] =	vst.idx.add.f32.msk $0xffff, v28  }
0x150: {  	v33 =	vunpack.i.u.bf16.f32 v23;
	v23 =	vunpack.i.l.bf16.f32 v23;
	v28 =	vunpack.i.l.bf16.f32 v25;
	[tilespmem:v24+s21+$0x0] =	vst.idx.add.f32.msk $0xffff, v19  }
0x151: {  	v19 =	vmul.f32 v22, v28;
	v22 =	vmul.f32 v32, v28;
	v32 =	vunpack.i.l.bf16.f32 v26;
	v17 =	vld.idx.msk [tilespmem:v17+s22+$0x0], $0xffff  }
0x152: {  	v34 =	vld [tilespmem:s30+$0xFFFFFFF0];
	v21 =	vmul.f32 v21, v32;
	v31 =	vmul.f32 v31, v32;
	v35 =	vunpack.i.l.bf16.f32 v29  }
0x153: {  	v36 =	vunpack.i.l.s16.s32 v30;
	v37 =	vld [tilespmem:s30+$0x0];
	v23 =	vmul.f32 v23, v35;
	v33 =	vmul.f32 v33, v35  }
0x154: {  	v25 =	vunpack.i.u.bf16.f32 v25;
	v26 =	vunpack.i.u.bf16.f32 v26;
	v29 =	vunpack.i.u.bf16.f32 v29;
	[tilespmem:v1+s21+$0x0] =	vst.idx.add.f32.msk $0xffff, v11  }
0x155: {  	v11 =	vunpack.i.u.s16.s32 v30;
	v30 =	vld.idx.msk [tilespmem:v4+s22+$0x0], $0xffff;
	v4 =	vmov v15  }
0x156: {  	v15 =	vld.idx.msk [tilespmem:v5+s22+$0x0], $0xffff;
	v5 =	vmov v13  }
0x157: {  	v12 =	vunpack.i.u.s16.s32 v12;
	v38 =	vunpack.i.l.bf16.f32 v17;
	v13 =	vunpack.i.l.s16.s32 v34;
	v39 =	vld.idx.msk [tilespmem:v7+s22+$0x0], $0xffff;
	v7 =	vmovc v10  }
0x158: {  	v17 =	vunpack.i.u.bf16.f32 v17;
	[tilespmem:v36+s5+$0x0] =	vst.idx.add.f32.msk $0xffff, v19;
	v10 =	vunpack.i.l.s16.s32 v37;
	v19 =	vmul.f32 v38, v27  }
0x159: {  	v17 =	vmul.f32 v17, v27;
	[tilespmem:v36+s21+$0x0] =	vst.idx.add.f32.msk $0xffff, v22;
	v22 =	vunpack.i.u.s16.s32 v34;
	v34 =	vunpack.i.u.s16.s32 v37  }
0x15a: {  	[tilespmem:v24+s23+$0x0] =	vst.idx.add.f32.msk $0xffff, v19  }
0x15b: {  	v19 =	vunpack.i.l.bf16.f32 v30;
	[tilespmem:v24+s24+$0x0] =	vst.idx.add.f32.msk $0xffff, v17;
	v17 =	vunpack.i.u.bf16.f32 v30  }
0x15c: {  	v19 =	vmul.f32 v19, v8;
	v27 =	vunpack.i.u.bf16.f32 v15;
	v15 =	vunpack.i.l.bf16.f32 v15;
	v24 =	vld.idx.msk [tilespmem:v12+s20+$0x0], $0xffff  }
0x15d: {  	v17 =	vmul.f32 v17, v8;
	v30 =	vunpack.i.l.bf16.f32 v39;
	v8 =	vmovc v25;
	[tilespmem:v13+s5+$0x0] =	vst.idx.add.f32.msk $0xffff, v21;
	v21 =	vunpack.i.u.bf16.f32 v39  }
0x15e: {  	v15 =	vmul.f32 v15, v3;
	v25 =	vmul.f32 v27, v3;
	v3 =	vmov v26;
	[tilespmem:v13+s21+$0x0] =	vst.idx.add.f32.msk $0xffff, v31  }
0x15f: {  	v21 =	vmul.f32 v21, v0;
	[tilespmem:v10+s5+$0x0] =	vst.idx.add.f32.msk $0xffff, v23;
	v23 =	vmul.f32 v30, v0;
	v0 =	vmov v29  }
0x160: {  	v9 =	vunpack.i.u.s16.s32 v9;
	[tilespmem:v10+s21+$0x0] =	vst.idx.add.f32.msk $0xffff, v33  }
0x161: {  	v18 =	vld.idx.msk [tilespmem:v18+s22+$0x0], $0xffff  }
0x162: {  	v20 =	vunpack.i.u.bf16.f32 v20;
	v26 =	vunpack.i.l.bf16.f32 v24;
	v14 =	vld.idx.msk [tilespmem:v14+s22+$0x0], $0xffff  }
0x163: {  	v24 =	vunpack.i.u.bf16.f32 v24;
	v26 =	vmul.f32 v26, v20;
	v16 =	vld.idx.msk [tilespmem:v16+s22+$0x0], $0xffff  }
0x164: {  	v24 =	vmul.f32 v24, v20;
	[tilespmem:v6+s23+$0x0] =	vst.idx.add.f32.msk $0xffff, v19  }
0x165: {  	[tilespmem:v9+s5+$0x0] =	vst.idx.add.f32.msk $0xffff, v26  }
0x166: {  	[tilespmem:v9+s21+$0x0] =	vst.idx.add.f32.msk $0xffff, v24  }
0x167: {  	v19 =	vunpack.i.u.bf16.f32 v18;
	v18 =	vunpack.i.l.bf16.f32 v18;
	v12 =	vld.idx.msk [tilespmem:v12+s22+$0x0], $0xffff  }
0x168: {  	v18 =	vmul.f32 v18, v28;
	v24 =	vunpack.i.u.bf16.f32 v14;
	v14 =	vunpack.i.l.bf16.f32 v14;
	[tilespmem:v6+s24+$0x0] =	vst.idx.add.f32.msk $0xffff, v17;
	v6 =	vmovc v11  }
0x169: {  	v11 =	vmul.f32 v19, v28;
	v17 =	vunpack.i.u.bf16.f32 v16;
	v16 =	vunpack.i.l.bf16.f32 v16;
	[tilespmem:v2+s23+$0x0] =	vst.idx.add.f32.msk $0xffff, v15  }
0x16a: {  	v14 =	vmul.f32 v14, v32;
	v15 =	vmul.f32 v24, v32;
	[tilespmem:v36+s23+$0x0] =	vst.idx.add.f32.msk $0xffff, v18  }
0x16b: {  	[tilespmem:v36+s24+$0x0] =	vst.idx.add.f32.msk $0xffff, v11;
	v11 =	vmul.f32 v16, v35;
	v16 =	vmul.f32 v17, v35  }
0x16c: {  	[tilespmem:v13+s23+$0x0] =	vst.idx.add.f32.msk $0xffff, v14  }
0x16d: {  	[tilespmem:v13+s24+$0x0] =	vst.idx.add.f32.msk $0xffff, v15;
	v13 =	vunpack.i.l.bf16.f32 v12  }
0x16e: {  	[tilespmem:v10+s23+$0x0] =	vst.idx.add.f32.msk $0xffff, v11;
	v11 =	vunpack.i.u.bf16.f32 v12;
	v12 =	vmul.f32 v13, v20  }
0x16f: {  	[tilespmem:v10+s24+$0x0] =	vst.idx.add.f32.msk $0xffff, v16;
	v10 =	vmul.f32 v11, v20  }
0x170: {  	[tilespmem:v9+s23+$0x0] =	vst.idx.add.f32.msk $0xffff, v12  }
0x171: {  	[tilespmem:v9+s24+$0x0] =	vst.idx.add.f32.msk $0xffff, v10  }
0x172: {  	v11 =	vld.idx.msk [tilespmem:v4+s20+$0x0], $0xffff  }
.Ltmp4:
0x173: {  	v10 =	vld.idx.msk [tilespmem:v5+s20+$0x0], $0xffff;
	(pc) =	sbr.rel @p1 .LBB2_7-.Ltmp4, $4  }
0x174: {  	v9 =	vld.idx.msk [tilespmem:v7+s20+$0x0], $0xffff  }
0x175: {  	[tilespmem:v2+s24+$0x0] =	vst.idx.add.f32.msk $0xffff, v25;
	v2 =	vmov v22  }
0x176: {  	[tilespmem:v1+s23+$0x0] =	vst.idx.add.f32.msk $0xffff, v23  }
0x177: {  	s0 =	sadd.s32 $0x40, s0;
	[tilespmem:v1+s24+$0x0] =	vst.idx.add.f32.msk $0xffff, v21;
	v1 =	vmov v34  }
0x178: {  	_ = 	snop  }
0x179: {  	v12 =	vunpack.i.l.bf16.f32 v11  }
0x17a: {  	v13 =	vunpack.i.l.bf16.f32 v10;
	v12 =	vmul.f32 v12, v8  }
0x17b: {  	v52 =	vunpack.i.u.bf16.f32 v11;
	v13 =	vmul.f32 v13, v3  }
0x17c: {  	v53 =	vunpack.i.u.bf16.f32 v10;
	v11 =	vmul.f32 v52, v8;
	[tilespmem:v6+s5+$0x0] =	vst.idx.add.f32.msk $0xffff, v12  }
0x17d: {  	v10 =	vmul.f32 v53, v3;
	[tilespmem:v2+s5+$0x0] =	vst.idx.add.f32.msk $0xffff, v13  }
0x17e: {  	[tilespmem:v6+s21+$0x0] =	vst.idx.add.f32.msk $0xffff, v11  }
0x17f: {  	v54 =	vunpack.i.l.bf16.f32 v9;
	[tilespmem:v2+s21+$0x0] =	vst.idx.add.f32.msk $0xffff, v10  }
0x180: {  	v55 =	vunpack.i.u.bf16.f32 v9;
	v11 =	vmul.f32 v54, v0;
	v4 =	vld.idx.msk [tilespmem:v4+s22+$0x0], $0xffff  }
0x181: {  	v9 =	vmul.f32 v55, v0;
	v5 =	vld.idx.msk [tilespmem:v5+s22+$0x0], $0xffff  }
0x182: {  	[tilespmem:v1+s5+$0x0] =	vst.idx.add.f32.msk $0xffff, v11  }
0x183: {  	[tilespmem:v1+s21+$0x0] =	vst.idx.add.f32.msk $0xffff, v9  }
0x184: {  	v7 =	vld.idx.msk [tilespmem:v7+s22+$0x0], $0xffff  }
0x185: {  	v56 =	vunpack.i.l.bf16.f32 v4  }
0x186: {  	v57 =	vunpack.i.l.bf16.f32 v5;
	v9 =	vmul.f32 v56, v8  }
0x187: {  	v4 =	vunpack.i.u.bf16.f32 v4;
	v58 =	vmul.f32 v57, v3  }
0x188: {  	v5 =	vunpack.i.u.bf16.f32 v5;
	v4 =	vmul.f32 v4, v8;
	[tilespmem:v6+s23+$0x0] =	vst.idx.add.f32.msk $0xffff, v9  }
.Ltmp5:
0x189: {  	v60 =	vmul.f32 v5, v3;
	v59 =	vunpack.i.l.bf16.f32 v7;
	[tilespmem:v2+s23+$0x0] =	vst.idx.add.f32.msk $0xffff, v58;
	(pc) =	sbr.rel @p0 .LBB2_10-.Ltmp5, $4  }
0x18a: {  	v61 =	vunpack.i.u.bf16.f32 v7;
	[tilespmem:v6+s24+$0x0] =	vst.idx.add.f32.msk $0xffff, v4;
	v62 =	vmul.f32 v59, v0  }
0x18b: {  	v63 =	vmul.f32 v61, v0;
	[tilespmem:v2+s24+$0x0] =	vst.idx.add.f32.msk $0xffff, v60  }
0x18c: {  	[tilespmem:v1+s23+$0x0] =	vst.idx.add.f32.msk $0xffff, v62  }
0x18d: {  	[tilespmem:v1+s24+$0x0] =	vst.idx.add.f32.msk $0xffff, v63  }
0x18e: {  	s0 =	smul.u32 $0x3E80, s29;
	_ =	sdelay $0x1  }
0x18f: {  	s0 =	sshrl.u32 s0, $0x3  }
0x190: {  	s0 =	sadd.s32 $0xBB8, s0  }
0x191: {  	s3 =	sadd.s32 s1, s0  }
0x192: {  	[tilespmem:s15], [sflag:$0x2] =	stream.linear.gather [hbm4b:s3+s5], $0x1F40, $0x38;
	[tilespmem:$0x1A800] =	vst v63  }
.Ltmp6:
0x193: {  	_ = 	snop;
	(pc) =	sbr.rel .LBB2_4-.Ltmp6, $4  }
0x194: {  	s31 =	sadd.s32 s2, s0  }
0x195: {  	[tilespmem:s16], [sflag:$0x2] =	stream.linear.gather [hbm4b:s31+s5], $0x1F40, $0x38;
	[tilespmem:$0x1A800] =	vst v63  }
0x196: {  	s29 =	sadd.s32 $0x1, s29;
	s0 =	sadd.s32 s4, s0  }
0x197: {  	[tilespmem:s17], [sflag:$0x2] =	stream.linear.gather [hbm4b:s0+s5], $0x1F40, $0x38;
	[tilespmem:$0x1A800] =	vst v63  }
.LBB2_11:
0x198: {  	_ =	sfence.sel $0x180000  }
0x199: {  	[bflag:$0x0] =	sbarrier.arrive $0xFFFF  }
0x19a: {  	_ =	strace $0x90000047  }
0x19b: {  	s0 =	stileid.u32;
	[bflag:$0x2] =	sbarrier.arrive $0xFFFF  }
0x19c: {  	p0 =	sne.s32 s0, $0x0;
	s0 =	rddreg [dreg:$0x5]  }
0x19d: {  	s0 =	sadd.s32 @!p0 $0x100000, s0  }
0x19e: {  	[sflag:s0] =	ssyncadd.tile.s32 @!p0 $0x1;
	_ =	shalt  }
.Lfunc_end2:
_tile_overlayer_lowered:
.L_overlay_start_2:
0x19f: {  	(tag) =	ssettag $0x2  }
0x1a0: {  	s0 =	rddreg [dreg:$0x0];
	s2 =	stileid.u32  }
0x1a1: {  	s1 =	rddreg [dreg:$0x1];
	p0 =	sne.s32 s2, $0x0  }
0x1a2: {  	s3 =	rddreg [dreg:$0x2];
	[bflag:$0x3] =	sbarrier.arrive $0xFFFF;
	s2 =	simm.s32 @!p0 $0x1C04  }
0x1a3: {  	[timem:s3], [sflag:s2] =	dma.local @!p0 [hbm:s0], s1  }
0x1a4: {  	s0 =	simm.s32 @!p0 $0x4  }
0x1a5: {  	_ =	swait.ge @!p0 [sflag:s0], s1  }
0x1a6: {  	s1 =	ssub.s32 @!p0 $0x0, s1;
	[sflag:s0] =	ssyncset.done @!p0 $0x0  }
0x1a7: {  	[sflag:s0] =	ssyncadd.s32 @!p0 s1  }
0x1a8: {  	[bflag:$0x3] =	sbarrier.arrive $0xFFFF  }
0x1a9: {  	_ =	shalt  }

</sc_bundles>
